<compile_context>
chip_gen: v7x
topology: tpu7x:2x2x1
jax: 0.10.2.dev20260603
libtpu: 0.0.44.dev20260713+nightly
codegen_flags: <defaults>
</compile_context>

<pallas_src>
import functools

import jax
import jax.numpy as jnp
from jax.experimental import pallas as pl
from jax.experimental.pallas import tpu as pltpu
from jax.experimental.pallas import tpu_sc as plsc


_RATIO = 0.3
_RC = 256
_CJ = 512


def _stats_kernel(text_ref, out_ref):
    text = text_ref[...]
    B, L = text.shape
    m = jnp.max(text, axis=1, keepdims=True)
    ii = jax.lax.broadcasted_iota(jnp.int32, (B, L), 1)
    amax = jnp.min(jnp.where(text == m, ii, L), axis=1, keepdims=True)
    nval = jnp.sum((text != 0).astype(jnp.int32), axis=1, keepdims=True)
    out_ref[0:B, 0:1] = amax
    out_ref[0:B, 1:2] = nval


def _prefix_sum_row(x):
    L = x.shape[1]
    nchunks = L // _CJ
    r = jax.lax.broadcasted_iota(jnp.int32, (_CJ, _CJ), 0)
    c = jax.lax.broadcasted_iota(jnp.int32, (_CJ, _CJ), 1)
    tri = (r <= c).astype(jnp.float32)
    outs = []
    carry = jnp.zeros((1, 1), jnp.float32)
    for ci in range(nchunks):
        xc = x[:, ci * _CJ:(ci + 1) * _CJ]
        p = jnp.dot(xc, tri, preferred_element_type=jnp.float32)
        outs.append(p + carry)
        carry = carry + jnp.sum(xc, keepdims=True)
    return jnp.concatenate(outs, axis=1)


def _topk_kernel(s_ref, attnrow_ref, text_ref, idx_ref, *, B, L, k, kp):
    b = pl.program_id(0)
    amax_b = s_ref[b, 0]
    sub = amax_b - (amax_b // 8) * 8
    rsel = (jax.lax.broadcasted_iota(jnp.int32, (8, 1), 0) == sub)
    rself = rsel.astype(jnp.float32)

    row = jnp.sum(attnrow_ref[0] * rself, axis=0, keepdims=True)
    lane = jax.lax.broadcasted_iota(jnp.int32, (1, L), 1)
    row = jnp.where((lane == 0) | (lane == amax_b), -1.0, row)
    tmask = (text_ref[0, 0, :].reshape(1, L) != 0)
    row = row * tmask.astype(jnp.float32)
    row = row + 0.0

    ibits = jax.lax.bitcast_convert_type(row, jnp.int32)
    ubits = jax.lax.bitcast_convert_type(row, jnp.uint32)
    ukey = jnp.where(ibits < 0, ~ubits, ubits | jnp.uint32(0x80000000))

    def _bisect(i, t):
        bit = jnp.uint32(1) << (jnp.uint32(31) - i.astype(jnp.uint32))
        cand = t | bit
        cnt = jnp.sum((ukey >= cand).astype(jnp.int32))
        return jnp.where(cnt >= k, cand, t)

    tkey = jax.lax.fori_loop(0, 32, _bisect, jnp.uint32(0))
    gt = (ukey > tkey)
    eq = (ukey == tkey)
    c_gt = jnp.sum(gt.astype(jnp.int32))
    need = (k - c_gt).astype(jnp.float32)
    pref_eq = _prefix_sum_row(eq.astype(jnp.float32))
    keep = gt | (eq & (pref_eq <= need))
    keepf = keep.astype(jnp.float32)
    pos = _prefix_sum_row(keepf) - 1.0

    pos_i = pos.astype(jnp.int32)
    nk = lane - pos_i - 1
    pad = kp - k
    dump = k + (nk - (nk // pad) * pad)
    bmod = b - (b // 2) * 2
    posg = jnp.where(keep, pos_i, dump) + bmod * kp
    idx_ref[0, 0:1, :] = posg


def _mlp_kernel(s_ref, local_ref, gfrow_ref,
                w0t_ref, b0_ref, g0_ref, be0_ref, w1t_ref, b1_ref,
                lwt_ref, lb_ref, fused_ref, pooled_ref,
                h1_ref, sums_ref, *, B, D, E, k, kp):
    b = pl.program_id(0)
    amax_b = s_ref[b, 0]
    sub = amax_b - (amax_b // 8) * 8
    rsel = (jax.lax.broadcasted_iota(jnp.int32, (8, 1), 0) == sub)
    rself = rsel.astype(jnp.float32)

    gf = jnp.sum(gfrow_ref[0] * rself, axis=0, keepdims=True)
    gl = jnp.dot(gf, lwt_ref[...], preferred_element_type=jnp.float32)
    gl = gl + lb_ref[...].reshape(1, E)
    for bb in range(B):
        @pl.when(b == bb)
        def _():
            fused_ref[bb:bb + 1, :] = gl

    w0t = w0t_ref[...]
    b0 = b0_ref[...].reshape(1, D)
    ssum = jnp.zeros((1, D), jnp.float32)
    ssq = jnp.zeros((1, D), jnp.float32)
    for rc in range(kp // _RC):
        local = local_ref[0, rc * _RC:(rc + 1) * _RC, :]
        s2 = jnp.sum(local * local, axis=1, keepdims=True)
        local = local * (1.0 / (jnp.sqrt(s2) + 1e-8))
        h0 = jnp.dot(local, w0t, preferred_element_type=jnp.float32) + b0
        h1_ref[b, rc * _RC:(rc + 1) * _RC, :] = h0
        gmask = (rc * _RC + jax.lax.broadcasted_iota(
            jnp.int32, (_RC, 1), 0)) < k
        gm = gmask.astype(jnp.float32)
        ssum = ssum + jnp.sum(h0 * gm, axis=0, keepdims=True)
        ssq = ssq + jnp.sum(h0 * h0 * gm, axis=0, keepdims=True)

    @pl.when(b == 0)
    def _():
        sums_ref[0:1, :] = ssum
        sums_ref[1:2, :] = ssq

    @pl.when(b > 0)
    def _():
        sums_ref[0:1, :] = sums_ref[0:1, :] + ssum
        sums_ref[1:2, :] = sums_ref[1:2, :] + ssq

    @pl.when(b == B - 1)
    def _():
        n = float(B * k)
        mu = sums_ref[0:1, :] / n
        var = sums_ref[1:2, :] / n - mu * mu
        scale = g0_ref[...].reshape(1, D) * jax.lax.rsqrt(var + 1e-5)
        shift = be0_ref[...].reshape(1, D) - mu * scale
        w1t = w1t_ref[...]
        b1 = b1_ref[...].reshape(1, E)
        neg_inf = jnp.float32(-jnp.inf)
        for b2 in range(B):
            lens = jnp.minimum(s_ref[b2, 1] - 2, k)
            pooled = jnp.full((1, E), neg_inf, jnp.float32)
            for rc in range(kp // _RC):
                hc = h1_ref[b2, rc * _RC:(rc + 1) * _RC, :]
                a = jnp.maximum(hc * scale + shift, 0.0)
                h2 = jnp.dot(a, w1t, preferred_element_type=jnp.float32)
                rows = rc * _RC + jax.lax.broadcasted_iota(
                    jnp.int32, (_RC, 1), 0)
                h2 = jnp.where(rows < lens, h2, neg_inf)
                pooled = jnp.maximum(pooled, jnp.max(h2, axis=0,
                                                     keepdims=True))
            pooled = pooled + b1
            pooled_ref[b2:b2 + 1, :] = pooled
            fused_ref[b2:b2 + 1, :] = fused_ref[b2:b2 + 1, :] + pooled


def _sc_scatter_gather(table2d, posg_flat, srcg_flat, B, L, kp, D):
    NC, NS = 2, 16
    nrows = B * kp
    per_e = (B * L) // (NC * NS)
    core_r = (B // NC) * kp
    per_r = nrows // (NC * NS)
    half = per_r // 2
    echunks = per_e // 128
    mesh = plsc.VectorSubcoreMesh(core_axis_name="c", subcore_axis_name="s",
                                  num_cores=NC)

    @functools.partial(
        pl.kernel, mesh=mesh,
        out_type=jax.ShapeDtypeStruct((nrows, D), jnp.float32),
        scratch_types=[
            pltpu.VMEM_SHARED((core_r,), jnp.int32),
            pltpu.VMEM((128,), jnp.int32),
            pltpu.VMEM((128,), jnp.int32),
            pltpu.VMEM((half,), jnp.int32),
            pltpu.VMEM((half,), jnp.int32),
            pltpu.VMEM((per_r, D), jnp.float32),
            pltpu.SemaphoreType.DMA,
        ],
    )
    def k(table_hbm, posg_hbm, srcg_hbm, out_hbm,
          sidx, pos_v, src_v, idx_v1, idx_v2, rows_v, sem):
        c = jax.lax.axis_index("c")
        s = jax.lax.axis_index("s")
        base_e = (c * NS + s) * per_e
        for j in range(echunks):
            off = base_e + j * 128
            pltpu.sync_copy(posg_hbm.at[pl.ds(off, 128)], pos_v)
            pltpu.sync_copy(srcg_hbm.at[pl.ds(off, 128)], src_v)
            pltpu.sync_copy(src_v, sidx.at[pos_v])
        plsc.subcore_barrier()
        srel = s * per_r
        pltpu.sync_copy(sidx.at[pl.ds(srel, half)], idx_v1)
        pltpu.sync_copy(sidx.at[pl.ds(srel + half, half)], idx_v2)
        cp1 = pltpu.async_copy(table_hbm.at[idx_v1],
                               rows_v.at[pl.ds(0, half)], sem)
        cp2 = pltpu.async_copy(table_hbm.at[idx_v2],
                               rows_v.at[pl.ds(half, half)], sem)
        cp1.wait()
        cp2.wait()
        base_r = (c * NS + s) * per_r
        pltpu.sync_copy(rows_v, out_hbm.at[pl.ds(base_r, per_r)])

    return k(table2d, posg_flat, srcg_flat)


def kernel(gfeatures, features, text, atten, linear_W, linear_b,
           mlp_l0_W, mlp_l0_b, bn0_gamma, bn0_beta, mlp_l1_W, mlp_l1_b):
    del features
    B, L, D = gfeatures.shape
    E = linear_W.shape[0]
    k = int((L - 2) * _RATIO)
    kp = ((k + _RC - 1) // _RC) * _RC

    stats = pl.pallas_call(
        _stats_kernel,
        out_shape=jax.ShapeDtypeStruct((8, 128), jnp.int32),
    )(text)

    text3 = text.reshape(B, 1, L)

    topk_grid = pltpu.PrefetchScalarGridSpec(
        num_scalar_prefetch=1,
        grid=(B,),
        in_specs=[
            pl.BlockSpec((1, 8, L), lambda b, s: (b, s[b, 0] // 8, 0)),
            pl.BlockSpec((1, 1, L), lambda b, s: (b, 0, 0)),
        ],
        out_specs=pl.BlockSpec((1, 1, L), lambda b, s: (b, 0, 0)),
    )
    posg3 = pl.pallas_call(
        functools.partial(_topk_kernel, B=B, L=L, k=k, kp=kp),
        grid_spec=topk_grid,
        out_shape=jax.ShapeDtypeStruct((B, 1, L), jnp.int32),
        compiler_params=pltpu.CompilerParams(
            dimension_semantics=("arbitrary",)),
    )(stats, atten, text3)

    srcg = jnp.arange(B * L, dtype=jnp.int32)
    local_flat = _sc_scatter_gather(gfeatures.reshape(B * L, D),
                                    posg3.reshape(B * L), srcg,
                                    B, L, kp, D)
    local3 = local_flat.reshape(B, kp, D)

    w0t = mlp_l0_W.T
    w1t = mlp_l1_W.T
    lwt = linear_W.T

    mlp_grid = pltpu.PrefetchScalarGridSpec(
        num_scalar_prefetch=1,
        grid=(B,),
        in_specs=[
            pl.BlockSpec((1, kp, D), lambda b, s: (b, 0, 0)),
            pl.BlockSpec((1, 8, D), lambda b, s: (b, s[b, 0] // 8, 0)),
            pl.BlockSpec((D, D), lambda b, s: (0, 0)),
            pl.BlockSpec((D,), lambda b, s: (0,)),
            pl.BlockSpec((D,), lambda b, s: (0,)),
            pl.BlockSpec((D,), lambda b, s: (0,)),
            pl.BlockSpec((D, E), lambda b, s: (0, 0)),
            pl.BlockSpec((E,), lambda b, s: (0,)),
            pl.BlockSpec((D, E), lambda b, s: (0, 0)),
            pl.BlockSpec((E,), lambda b, s: (0,)),
        ],
        out_specs=[
            pl.BlockSpec((B, E), lambda b, s: (0, 0)),
            pl.BlockSpec((B, E), lambda b, s: (0, 0)),
        ],
        scratch_shapes=[
            pltpu.VMEM((B, kp, D), jnp.float32),
            pltpu.VMEM((8, D), jnp.float32),
        ],
    )
    fused, pooled = pl.pallas_call(
        functools.partial(_mlp_kernel, B=B, D=D, E=E, k=k, kp=kp),
        grid_spec=mlp_grid,
        out_shape=[
            jax.ShapeDtypeStruct((B, E), jnp.float32),
            jax.ShapeDtypeStruct((B, E), jnp.float32),
        ],
        compiler_params=pltpu.CompilerParams(
            dimension_semantics=("arbitrary",)),
    )(stats, local3, gfeatures, w0t, mlp_l0_b, bn0_gamma, bn0_beta,
      w1t, mlp_l1_b, lwt, linear_b)

    return (fused, pooled)

# --- scband reference (transcript-rebuilt; emitter-appended) ---
"""Pipeline reference for scband-texual-fused-embedding-layer-21036749815973 (READ-ONLY COPY).

The authoritative reference and input builder live on the scoring server;
editing this copy changes nothing except your own understanding.
"""

import jax, jax.numpy as jnp
import numpy as np


def setup_inputs(seed: int = 0) -> dict:
    key = jax.random.key(seed)
    ks = jax.random.split(key, 10)
    B, L, D, E = 4, 4096, 512, 1024
    gfeatures = jax.random.normal(ks[0], (B, L, D), dtype=jnp.float32)
    features = jax.random.normal(ks[1], (B, L, D), dtype=jnp.float32)
    text = jax.random.randint(ks[2], (B, L), 0, 49408, dtype=jnp.int32)
    atten = jax.random.uniform(ks[3], (B, L, L), dtype=jnp.float32)
    linear_W = jax.random.normal(ks[4], (E, D), dtype=jnp.float32) * 0.02
    linear_b = jnp.zeros((E,), dtype=jnp.float32)
    mlp_l0_W = jax.random.normal(ks[5], (D, D), dtype=jnp.float32) * 0.02
    mlp_l0_b = jnp.zeros((D,), dtype=jnp.float32)
    bn0_gamma = jnp.ones((D,), dtype=jnp.float32)
    bn0_beta = jnp.zeros((D,), dtype=jnp.float32)
    mlp_l1_W = jax.random.normal(ks[6], (E, D), dtype=jnp.float32) * 0.02
    mlp_l1_b = jnp.zeros((E,), dtype=jnp.float32)
    return {"gfeatures": gfeatures, "features": features, "text": text, "atten": atten,
            "linear_W": linear_W, "linear_b": linear_b,
            "mlp_l0_W": mlp_l0_W, "mlp_l0_b": mlp_l0_b,
            "bn0_gamma": bn0_gamma, "bn0_beta": bn0_beta,
            "mlp_l1_W": mlp_l1_W, "mlp_l1_b": mlp_l1_b}


def reference(gfeatures, features, text, atten, linear_W, linear_b, mlp_l0_W, mlp_l0_b, bn0_gamma, bn0_beta, mlp_l1_W, mlp_l1_b):
    ratio = 0.3
    B, L, D = gfeatures.shape
    feats = gfeatures  # module overwrites features with gfeatures
    amax = jnp.argmax(text, axis=-1)  # [B]
    bidx = jnp.arange(B)
    global_features = feats[bidx, amax]  # [B, D]
    mask = (text != 0).astype(jnp.float32)  # [B, L]
    lengths = mask.sum(axis=1) - 2.0
    k = int((atten.shape[1] - 2) * ratio)
    # atten[b, :, amax[b]] = -1 ; atten[b, :, 0] = -1
    col = jnp.arange(L)[None, :]
    col_mask = (col == amax[:, None]) | (col == 0)  # [B, L]
    atten = jnp.where(col_mask[:, None, :], -1.0, atten)
    row = atten[bidx, amax, :]  # [B, L]
    row = row * mask
    _, idx = jax.lax.top_k(row, k)  # [B, k]
    local = jnp.take_along_axis(feats, idx[:, :, None], axis=1)  # [B, k, D]
    norm = jnp.sqrt(jnp.sum(local ** 2, axis=-1, keepdims=True)) + 1e-8
    local = local / norm
    # MLP (num_layers=2, BatchNorm1d in training mode after first layer)
    x = local.reshape(B * k, D)
    h = x @ mlp_l0_W.T + mlp_l0_b
    mu = h.mean(axis=0)
    var = h.var(axis=0)
    h = (h - mu) / jnp.sqrt(var + 1e-5) * bn0_gamma + bn0_beta
    h = jax.nn.relu(h)
    h = h @ mlp_l1_W.T + mlp_l1_b
    h = h.reshape(B, k, -1)
    # maxk_pool1d_var with k=1 -> masked max over valid prefix
    lens = jnp.minimum(lengths, float(k)).astype(jnp.int32)
    valid = jnp.arange(k)[None, :] < lens[:, None]
    pooled = jnp.where(valid[:, :, None], h, -jnp.inf).max(axis=1)  # [B, E]
    fused = pooled + (global_features @ linear_W.T + linear_b)
    return (fused.astype(jnp.float32), pooled.astype(jnp.float32))

if __name__ == "__main__":
    import jax
    _d = setup_inputs()
    print(jax.jit(kernel)(*tuple(_d.values())))

</pallas_src>

<mosaic_0001>
#map = affine_map<(d0, d1) -> (0, 0)>
#map1 = affine_map<(d0, d1) -> (0)>
module attributes {stable_mosaic.version = 14 : i64} {
  func.func @k(%arg0: i32, %arg1: i32, %arg2: memref<16384x512xf32, #tpu.memory_space<hbm>>, %arg3: memref<16384xi32, #tpu.memory_space<hbm>>, %arg4: memref<16384xi32, #tpu.memory_space<hbm>>, %arg5: memref<5120x512xf32, #tpu.memory_space<hbm>>, %arg6: memref<2560xi32, #tpu.memory_space<vmem_shared>>, %arg7: memref<128xi32, #tpu.memory_space<vmem>>, %arg8: memref<128xi32, #tpu.memory_space<vmem>>, %arg9: memref<80xi32, #tpu.memory_space<vmem>>, %arg10: memref<80xi32, #tpu.memory_space<vmem>>, %arg11: memref<160x512xf32, #tpu.memory_space<vmem>>, %arg12: memref<!tpu.dma_semaphore, #tpu.memory_space<semaphore_mem>>) attributes {dimension_semantics = [#tpu.dimension_semantics<core_parallel>, #tpu.dimension_semantics<subcore_parallel>], iteration_bounds = array<i64: 2, 16>, scalar_prefetch = 0 : i64, scratch_operands = 7 : i64, tpu.core_type = #tpu.core_type<sc_vector_subcore>, window_params = [{transform_indices = #map}, {transform_indices = #map1}, {transform_indices = #map1}, {transform_indices = #map}]} {
    %mul3A = arith.constant 16 : i32
    %mul3A_0 = arith.muli %arg0, %mul3A : i32
    %add3A = arith.addi %mul3A_0, %arg1 : i32
    %mul3A_1 = arith.constant 512 : i32
    %mul3A_2 = arith.muli %add3A, %mul3A_1 : i32
    %add3A_3 = arith.constant 0 : i32
    %add3A_4 = arith.addi %mul3A_2, %add3A_3 : i32
    "tpu.region"() ({
      %run_scoped3A = tpu.sem_alloc : memref<!tpu.dma_semaphore, #tpu.memory_space<semaphore_mem>>
      %dma_start3A_42 = tpu.memref_slice %arg3[%add3A_4] : memref<16384xi32, #tpu.memory_space<hbm>> -> memref<128xi32, #tpu.memory_space<hbm>>
      %dma_start3A_43 = tpu.memref_slice %arg3[%add3A_4] : memref<16384xi32, #tpu.memory_space<hbm>> -> memref<128xi32, #tpu.memory_space<hbm>>
      tpu.enqueue_dma source(%dma_start3A_43 : memref<128xi32, #tpu.memory_space<hbm>>) target(%arg7 : memref<128xi32, #tpu.memory_space<vmem>>) target_semaphore(%run_scoped3A : memref<!tpu.dma_semaphore, #tpu.memory_space<semaphore_mem>>)
      %dma_wait3A_44 = tpu.memref_slice %arg3[%add3A_4] : memref<16384xi32, #tpu.memory_space<hbm>> -> memref<128xi32, #tpu.memory_space<hbm>>
      %dma_wait3A_45 = tpu.memref_slice %arg3[%add3A_4] : memref<16384xi32, #tpu.memory_space<hbm>> -> memref<128xi32, #tpu.memory_space<hbm>>
      tpu.wait_dma2 semaphore(%run_scoped3A : memref<!tpu.dma_semaphore, #tpu.memory_space<semaphore_mem>>) src(%dma_wait3A_45 : memref<128xi32, #tpu.memory_space<hbm>>) dst(%arg7 : memref<128xi32, #tpu.memory_space<vmem>>)
      tpu.yield
    }) : () -> ()
    "tpu.region"() ({
      %run_scoped3A = tpu.sem_alloc : memref<!tpu.dma_semaphore, #tpu.memory_space<semaphore_mem>>
      %dma_start3A_42 = tpu.memref_slice %arg4[%add3A_4] : memref<16384xi32, #tpu.memory_space<hbm>> -> memref<128xi32, #tpu.memory_space<hbm>>
      %dma_start3A_43 = tpu.memref_slice %arg4[%add3A_4] : memref<16384xi32, #tpu.memory_space<hbm>> -> memref<128xi32, #tpu.memory_space<hbm>>
      tpu.enqueue_dma source(%dma_start3A_43 : memref<128xi32, #tpu.memory_space<hbm>>) target(%arg8 : memref<128xi32, #tpu.memory_space<vmem>>) target_semaphore(%run_scoped3A : memref<!tpu.dma_semaphore, #tpu.memory_space<semaphore_mem>>)
      %dma_wait3A_44 = tpu.memref_slice %arg4[%add3A_4] : memref<16384xi32, #tpu.memory_space<hbm>> -> memref<128xi32, #tpu.memory_space<hbm>>
      %dma_wait3A_45 = tpu.memref_slice %arg4[%add3A_4] : memref<16384xi32, #tpu.memory_space<hbm>> -> memref<128xi32, #tpu.memory_space<hbm>>
      tpu.wait_dma2 semaphore(%run_scoped3A : memref<!tpu.dma_semaphore, #tpu.memory_space<semaphore_mem>>) src(%dma_wait3A_45 : memref<128xi32, #tpu.memory_space<hbm>>) dst(%arg8 : memref<128xi32, #tpu.memory_space<vmem>>)
      tpu.yield
    }) : () -> ()
    "tpu.region"() ({
      %run_scoped3A = tpu.sem_alloc : memref<!tpu.dma_semaphore, #tpu.memory_space<semaphore_mem>>
      %dma_start3A_42 = arith.constant 0 : i32
      %dma_start3A_43 = tpu.memref_slice %arg6[%dma_start3A_42] : memref<2560xi32, #tpu.memory_space<vmem_shared>> -> memref<2560xi32, #tpu.memory_space<vmem_shared>>
      tpu.enqueue_indirect_dma source(%arg8 : memref<128xi32, #tpu.memory_space<vmem>>) target(%dma_start3A_43 : memref<2560xi32, #tpu.memory_space<vmem_shared>>) offsets(%arg7 : memref<128xi32, #tpu.memory_space<vmem>>) semaphore(%run_scoped3A : memref<!tpu.dma_semaphore, #tpu.memory_space<semaphore_mem>>)
      %dma_wait3A_44 = arith.constant 0 : i32
      %dma_wait3A_45 = tpu.memref_slice %arg6[%dma_wait3A_44] : memref<2560xi32, #tpu.memory_space<vmem_shared>> -> memref<2560xi32, #tpu.memory_space<vmem_shared>>
      tpu.wait_indirect_dma semaphore(%run_scoped3A : memref<!tpu.dma_semaphore, #tpu.memory_space<semaphore_mem>>) src(%arg8 : memref<128xi32, #tpu.memory_space<vmem>>) dst(%dma_wait3A_45 : memref<2560xi32, #tpu.memory_space<vmem_shared>>)
      tpu.yield
    }) : () -> ()
    %add3A_5 = arith.constant 128 : i32
    %add3A_6 = arith.addi %mul3A_2, %add3A_5 : i32
    "tpu.region"() ({
      %run_scoped3A = tpu.sem_alloc : memref<!tpu.dma_semaphore, #tpu.memory_space<semaphore_mem>>
      %dma_start3A_42 = tpu.memref_slice %arg3[%add3A_6] : memref<16384xi32, #tpu.memory_space<hbm>> -> memref<128xi32, #tpu.memory_space<hbm>>
      %dma_start3A_43 = tpu.memref_slice %arg3[%add3A_6] : memref<16384xi32, #tpu.memory_space<hbm>> -> memref<128xi32, #tpu.memory_space<hbm>>
      tpu.enqueue_dma source(%dma_start3A_43 : memref<128xi32, #tpu.memory_space<hbm>>) target(%arg7 : memref<128xi32, #tpu.memory_space<vmem>>) target_semaphore(%run_scoped3A : memref<!tpu.dma_semaphore, #tpu.memory_space<semaphore_mem>>)
      %dma_wait3A_44 = tpu.memref_slice %arg3[%add3A_6] : memref<16384xi32, #tpu.memory_space<hbm>> -> memref<128xi32, #tpu.memory_space<hbm>>
      %dma_wait3A_45 = tpu.memref_slice %arg3[%add3A_6] : memref<16384xi32, #tpu.memory_space<hbm>> -> memref<128xi32, #tpu.memory_space<hbm>>
      tpu.wait_dma2 semaphore(%run_scoped3A : memref<!tpu.dma_semaphore, #tpu.memory_space<semaphore_mem>>) src(%dma_wait3A_45 : memref<128xi32, #tpu.memory_space<hbm>>) dst(%arg7 : memref<128xi32, #tpu.memory_space<vmem>>)
      tpu.yield
    }) : () -> ()
    "tpu.region"() ({
      %run_scoped3A = tpu.sem_alloc : memref<!tpu.dma_semaphore, #tpu.memory_space<semaphore_mem>>
      %dma_start3A_42 = tpu.memref_slice %arg4[%add3A_6] : memref<16384xi32, #tpu.memory_space<hbm>> -> memref<128xi32, #tpu.memory_space<hbm>>
      %dma_start3A_43 = tpu.memref_slice %arg4[%add3A_6] : memref<16384xi32, #tpu.memory_space<hbm>> -> memref<128xi32, #tpu.memory_space<hbm>>
      tpu.enqueue_dma source(%dma_start3A_43 : memref<128xi32, #tpu.memory_space<hbm>>) target(%arg8 : memref<128xi32, #tpu.memory_space<vmem>>) target_semaphore(%run_scoped3A : memref<!tpu.dma_semaphore, #tpu.memory_space<semaphore_mem>>)
      %dma_wait3A_44 = tpu.memref_slice %arg4[%add3A_6] : memref<16384xi32, #tpu.memory_space<hbm>> -> memref<128xi32, #tpu.memory_space<hbm>>
      %dma_wait3A_45 = tpu.memref_slice %arg4[%add3A_6] : memref<16384xi32, #tpu.memory_space<hbm>> -> memref<128xi32, #tpu.memory_space<hbm>>
      tpu.wait_dma2 semaphore(%run_scoped3A : memref<!tpu.dma_semaphore, #tpu.memory_space<semaphore_mem>>) src(%dma_wait3A_45 : memref<128xi32, #tpu.memory_space<hbm>>) dst(%arg8 : memref<128xi32, #tpu.memory_space<vmem>>)
      tpu.yield
    }) : () -> ()
    "tpu.region"() ({
      %run_scoped3A = tpu.sem_alloc : memref<!tpu.dma_semaphore, #tpu.memory_space<semaphore_mem>>
      %dma_start3A_42 = arith.constant 0 : i32
      %dma_start3A_43 = tpu.memref_slice %arg6[%dma_start3A_42] : memref<2560xi32, #tpu.memory_space<vmem_shared>> -> memref<2560xi32, #tpu.memory_space<vmem_shared>>
      tpu.enqueue_indirect_dma source(%arg8 : memref<128xi32, #tpu.memory_space<vmem>>) target(%dma_start3A_43 : memref<2560xi32, #tpu.memory_space<vmem_shared>>) offsets(%arg7 : memref<128xi32, #tpu.memory_space<vmem>>) semaphore(%run_scoped3A : memref<!tpu.dma_semaphore, #tpu.memory_space<semaphore_mem>>)
      %dma_wait3A_44 = arith.constant 0 : i32
      %dma_wait3A_45 = tpu.memref_slice %arg6[%dma_wait3A_44] : memref<2560xi32, #tpu.memory_space<vmem_shared>> -> memref<2560xi32, #tpu.memory_space<vmem_shared>>
      tpu.wait_indirect_dma semaphore(%run_scoped3A : memref<!tpu.dma_semaphore, #tpu.memory_space<semaphore_mem>>) src(%arg8 : memref<128xi32, #tpu.memory_space<vmem>>) dst(%dma_wait3A_45 : memref<2560xi32, #tpu.memory_space<vmem_shared>>)
      tpu.yield
    }) : () -> ()
    %add3A_7 = arith.constant 256 : i32
    %add3A_8 = arith.addi %mul3A_2, %add3A_7 : i32
    "tpu.region"() ({
      %run_scoped3A = tpu.sem_alloc : memref<!tpu.dma_semaphore, #tpu.memory_space<semaphore_mem>>
      %dma_start3A_42 = tpu.memref_slice %arg3[%add3A_8] : memref<16384xi32, #tpu.memory_space<hbm>> -> memref<128xi32, #tpu.memory_space<hbm>>
      %dma_start3A_43 = tpu.memref_slice %arg3[%add3A_8] : memref<16384xi32, #tpu.memory_space<hbm>> -> memref<128xi32, #tpu.memory_space<hbm>>
      tpu.enqueue_dma source(%dma_start3A_43 : memref<128xi32, #tpu.memory_space<hbm>>) target(%arg7 : memref<128xi32, #tpu.memory_space<vmem>>) target_semaphore(%run_scoped3A : memref<!tpu.dma_semaphore, #tpu.memory_space<semaphore_mem>>)
      %dma_wait3A_44 = tpu.memref_slice %arg3[%add3A_8] : memref<16384xi32, #tpu.memory_space<hbm>> -> memref<128xi32, #tpu.memory_space<hbm>>
      %dma_wait3A_45 = tpu.memref_slice %arg3[%add3A_8] : memref<16384xi32, #tpu.memory_space<hbm>> -> memref<128xi32, #tpu.memory_space<hbm>>
      tpu.wait_dma2 semaphore(%run_scoped3A : memref<!tpu.dma_semaphore, #tpu.memory_space<semaphore_mem>>) src(%dma_wait3A_45 : memref<128xi32, #tpu.memory_space<hbm>>) dst(%arg7 : memref<128xi32, #tpu.memory_space<vmem>>)
      tpu.yield
    }) : () -> ()
    "tpu.region"() ({
      %run_scoped3A = tpu.sem_alloc : memref<!tpu.dma_semaphore, #tpu.memory_space<semaphore_mem>>
      %dma_start3A_42 = tpu.memref_slice %arg4[%add3A_8] : memref<16384xi32, #tpu.memory_space<hbm>> -> memref<128xi32, #tpu.memory_space<hbm>>
      %dma_start3A_43 = tpu.memref_slice %arg4[%add3A_8] : memref<16384xi32, #tpu.memory_space<hbm>> -> memref<128xi32, #tpu.memory_space<hbm>>
      tpu.enqueue_dma source(%dma_start3A_43 : memref<128xi32, #tpu.memory_space<hbm>>) target(%arg8 : memref<128xi32, #tpu.memory_space<vmem>>) target_semaphore(%run_scoped3A : memref<!tpu.dma_semaphore, #tpu.memory_space<semaphore_mem>>)
      %dma_wait3A_44 = tpu.memref_slice %arg4[%add3A_8] : memref<16384xi32, #tpu.memory_space<hbm>> -> memref<128xi32, #tpu.memory_space<hbm>>
      %dma_wait3A_45 = tpu.memref_slice %arg4[%add3A_8] : memref<16384xi32, #tpu.memory_space<hbm>> -> memref<128xi32, #tpu.memory_space<hbm>>
      tpu.wait_dma2 semaphore(%run_scoped3A : memref<!tpu.dma_semaphore, #tpu.memory_space<semaphore_mem>>) src(%dma_wait3A_45 : memref<128xi32, #tpu.memory_space<hbm>>) dst(%arg8 : memref<128xi32, #tpu.memory_space<vmem>>)
      tpu.yield
    }) : () -> ()
    "tpu.region"() ({
      %run_scoped3A = tpu.sem_alloc : memref<!tpu.dma_semaphore, #tpu.memory_space<semaphore_mem>>
      %dma_start3A_42 = arith.constant 0 : i32
      %dma_start3A_43 = tpu.memref_slice %arg6[%dma_start3A_42] : memref<2560xi32, #tpu.memory_space<vmem_shared>> -> memref<2560xi32, #tpu.memory_space<vmem_shared>>
      tpu.enqueue_indirect_dma source(%arg8 : memref<128xi32, #tpu.memory_space<vmem>>) target(%dma_start3A_43 : memref<2560xi32, #tpu.memory_space<vmem_shared>>) offsets(%arg7 : memref<128xi32, #tpu.memory_space<vmem>>) semaphore(%run_scoped3A : memref<!tpu.dma_semaphore, #tpu.memory_space<semaphore_mem>>)
      %dma_wait3A_44 = arith.constant 0 : i32
      %dma_wait3A_45 = tpu.memref_slice %arg6[%dma_wait3A_44] : memref<2560xi32, #tpu.memory_space<vmem_shared>> -> memref<2560xi32, #tpu.memory_space<vmem_shared>>
      tpu.wait_indirect_dma semaphore(%run_scoped3A : memref<!tpu.dma_semaphore, #tpu.memory_space<semaphore_mem>>) src(%arg8 : memref<128xi32, #tpu.memory_space<vmem>>) dst(%dma_wait3A_45 : memref<2560xi32, #tpu.memory_space<vmem_shared>>)
      tpu.yield
    }) : () -> ()
    %add3A_9 = arith.constant 384 : i32
    %add3A_10 = arith.addi %mul3A_2, %add3A_9 : i32
    "tpu.region"() ({
      %run_scoped3A = tpu.sem_alloc : memref<!tpu.dma_semaphore, #tpu.memory_space<semaphore_mem>>
      %dma_start3A_42 = tpu.memref_slice %arg3[%add3A_10] : memref<16384xi32, #tpu.memory_space<hbm>> -> memref<128xi32, #tpu.memory_space<hbm>>
      %dma_start3A_43 = tpu.memref_slice %arg3[%add3A_10] : memref<16384xi32, #tpu.memory_space<hbm>> -> memref<128xi32, #tpu.memory_space<hbm>>
      tpu.enqueue_dma source(%dma_start3A_43 : memref<128xi32, #tpu.memory_space<hbm>>) target(%arg7 : memref<128xi32, #tpu.memory_space<vmem>>) target_semaphore(%run_scoped3A : memref<!tpu.dma_semaphore, #tpu.memory_space<semaphore_mem>>)
      %dma_wait3A_44 = tpu.memref_slice %arg3[%add3A_10] : memref<16384xi32, #tpu.memory_space<hbm>> -> memref<128xi32, #tpu.memory_space<hbm>>
      %dma_wait3A_45 = tpu.memref_slice %arg3[%add3A_10] : memref<16384xi32, #tpu.memory_space<hbm>> -> memref<128xi32, #tpu.memory_space<hbm>>
      tpu.wait_dma2 semaphore(%run_scoped3A : memref<!tpu.dma_semaphore, #tpu.memory_space<semaphore_mem>>) src(%dma_wait3A_45 : memref<128xi32, #tpu.memory_space<hbm>>) dst(%arg7 : memref<128xi32, #tpu.memory_space<vmem>>)
      tpu.yield
    }) : () -> ()
    "tpu.region"() ({
      %run_scoped3A = tpu.sem_alloc : memref<!tpu.dma_semaphore, #tpu.memory_space<semaphore_mem>>
      %dma_start3A_42 = tpu.memref_slice %arg4[%add3A_10] : memref<16384xi32, #tpu.memory_space<hbm>> -> memref<128xi32, #tpu.memory_space<hbm>>
      %dma_start3A_43 = tpu.memref_slice %arg4[%add3A_10] : memref<16384xi32, #tpu.memory_space<hbm>> -> memref<128xi32, #tpu.memory_space<hbm>>
      tpu.enqueue_dma source(%dma_start3A_43 : memref<128xi32, #tpu.memory_space<hbm>>) target(%arg8 : memref<128xi32, #tpu.memory_space<vmem>>) target_semaphore(%run_scoped3A : memref<!tpu.dma_semaphore, #tpu.memory_space<semaphore_mem>>)
      %dma_wait3A_44 = tpu.memref_slice %arg4[%add3A_10] : memref<16384xi32, #tpu.memory_space<hbm>> -> memref<128xi32, #tpu.memory_space<hbm>>
      %dma_wait3A_45 = tpu.memref_slice %arg4[%add3A_10] : memref<16384xi32, #tpu.memory_space<hbm>> -> memref<128xi32, #tpu.memory_space<hbm>>
      tpu.wait_dma2 semaphore(%run_scoped3A : memref<!tpu.dma_semaphore, #tpu.memory_space<semaphore_mem>>) src(%dma_wait3A_45 : memref<128xi32, #tpu.memory_space<hbm>>) dst(%arg8 : memref<128xi32, #tpu.memory_space<vmem>>)
      tpu.yield
    }) : () -> ()
    "tpu.region"() ({
      %run_scoped3A = tpu.sem_alloc : memref<!tpu.dma_semaphore, #tpu.memory_space<semaphore_mem>>
      %dma_start3A_42 = arith.constant 0 : i32
      %dma_start3A_43 = tpu.memref_slice %arg6[%dma_start3A_42] : memref<2560xi32, #tpu.memory_space<vmem_shared>> -> memref<2560xi32, #tpu.memory_space<vmem_shared>>
      tpu.enqueue_indirect_dma source(%arg8 : memref<128xi32, #tpu.memory_space<vmem>>) target(%dma_start3A_43 : memref<2560xi32, #tpu.memory_space<vmem_shared>>) offsets(%arg7 : memref<128xi32, #tpu.memory_space<vmem>>) semaphore(%run_scoped3A : memref<!tpu.dma_semaphore, #tpu.memory_space<semaphore_mem>>)
      %dma_wait3A_44 = arith.constant 0 : i32
      %dma_wait3A_45 = tpu.memref_slice %arg6[%dma_wait3A_44] : memref<2560xi32, #tpu.memory_space<vmem_shared>> -> memref<2560xi32, #tpu.memory_space<vmem_shared>>
      tpu.wait_indirect_dma semaphore(%run_scoped3A : memref<!tpu.dma_semaphore, #tpu.memory_space<semaphore_mem>>) src(%arg8 : memref<128xi32, #tpu.memory_space<vmem>>) dst(%dma_wait3A_45 : memref<2560xi32, #tpu.memory_space<vmem_shared>>)
      tpu.yield
    }) : () -> ()
    %barrier3A = arith.constant 0 : index
    tpu.barrier barrier_id(%barrier3A)
    %mul3A_11 = arith.constant 160 : i32
    %mul3A_12 = arith.muli %arg1, %mul3A_11 : i32
    "tpu.region"() ({
      %run_scoped3A = tpu.sem_alloc : memref<!tpu.dma_semaphore, #tpu.memory_space<semaphore_mem>>
      %dma_start3A_42 = tpu.memref_slice %arg6[%mul3A_12] : memref<2560xi32, #tpu.memory_space<vmem_shared>> -> memref<80xi32, #tpu.memory_space<vmem_shared>>
      %dma_start3A_43 = tpu.memref_slice %arg6[%mul3A_12] : memref<2560xi32, #tpu.memory_space<vmem_shared>> -> memref<80xi32, #tpu.memory_space<vmem_shared>>
      tpu.enqueue_dma source(%dma_start3A_43 : memref<80xi32, #tpu.memory_space<vmem_shared>>) target(%arg9 : memref<80xi32, #tpu.memory_space<vmem>>) target_semaphore(%run_scoped3A : memref<!tpu.dma_semaphore, #tpu.memory_space<semaphore_mem>>)
      %dma_wait3A_44 = tpu.memref_slice %arg6[%mul3A_12] : memref<2560xi32, #tpu.memory_space<vmem_shared>> -> memref<80xi32, #tpu.memory_space<vmem_shared>>
      %dma_wait3A_45 = tpu.memref_slice %arg6[%mul3A_12] : memref<2560xi32, #tpu.memory_space<vmem_shared>> -> memref<80xi32, #tpu.memory_space<vmem_shared>>
      tpu.wait_dma2 semaphore(%run_scoped3A : memref<!tpu.dma_semaphore, #tpu.memory_space<semaphore_mem>>) src(%dma_wait3A_45 : memref<80xi32, #tpu.memory_space<vmem_shared>>) dst(%arg9 : memref<80xi32, #tpu.memory_space<vmem>>)
      tpu.yield
    }) : () -> ()
    %add3A_13 = arith.constant 80 : i32
    %add3A_14 = arith.addi %mul3A_12, %add3A_13 : i32
    "tpu.region"() ({
      %run_scoped3A = tpu.sem_alloc : memref<!tpu.dma_semaphore, #tpu.memory_space<semaphore_mem>>
      %dma_start3A_42 = tpu.memref_slice %arg6[%add3A_14] : memref<2560xi32, #tpu.memory_space<vmem_shared>> -> memref<80xi32, #tpu.memory_space<vmem_shared>>
      %dma_start3A_43 = tpu.memref_slice %arg6[%add3A_14] : memref<2560xi32, #tpu.memory_space<vmem_shared>> -> memref<80xi32, #tpu.memory_space<vmem_shared>>
      tpu.enqueue_dma source(%dma_start3A_43 : memref<80xi32, #tpu.memory_space<vmem_shared>>) target(%arg10 : memref<80xi32, #tpu.memory_space<vmem>>) target_semaphore(%run_scoped3A : memref<!tpu.dma_semaphore, #tpu.memory_space<semaphore_mem>>)
      %dma_wait3A_44 = tpu.memref_slice %arg6[%add3A_14] : memref<2560xi32, #tpu.memory_space<vmem_shared>> -> memref<80xi32, #tpu.memory_space<vmem_shared>>
      %dma_wait3A_45 = tpu.memref_slice %arg6[%add3A_14] : memref<2560xi32, #tpu.memory_space<vmem_shared>> -> memref<80xi32, #tpu.memory_space<vmem_shared>>
      tpu.wait_dma2 semaphore(%run_scoped3A : memref<!tpu.dma_semaphore, #tpu.memory_space<semaphore_mem>>) src(%dma_wait3A_45 : memref<80xi32, #tpu.memory_space<vmem_shared>>) dst(%arg10 : memref<80xi32, #tpu.memory_space<vmem>>)
      tpu.yield
    }) : () -> ()
    %dma_start3A = arith.constant 0 : i32
    %dma_start3A_15 = arith.constant 0 : i32
    %dma_start3A_16 = tpu.memref_slice %arg11[%dma_start3A, %dma_start3A_15] : memref<160x512xf32, #tpu.memory_space<vmem>> -> memref<80x512xf32, #tpu.memory_space<vmem>>
    %dma_start3A_17 = arith.constant 0 : i32
    %dma_start3A_18 = arith.constant 0 : i32
    %dma_start3A_19 = tpu.memref_slice %arg2[%dma_start3A_17, %dma_start3A_18] : memref<16384x512xf32, #tpu.memory_space<hbm>> -> memref<16384x512xf32, #tpu.memory_space<hbm>>
    tpu.enqueue_indirect_dma source(%dma_start3A_19 : memref<16384x512xf32, #tpu.memory_space<hbm>>) target(%dma_start3A_16 : memref<80x512xf32, #tpu.memory_space<vmem>>) offsets(%arg9 : memref<80xi32, #tpu.memory_space<vmem>>) semaphore(%arg12 : memref<!tpu.dma_semaphore, #tpu.memory_space<semaphore_mem>>)
    %dma_start3A_20 = arith.constant 80 : i32
    %dma_start3A_21 = arith.constant 0 : i32
    %dma_start3A_22 = tpu.memref_slice %arg11[%dma_start3A_20, %dma_start3A_21] : memref<160x512xf32, #tpu.memory_space<vmem>> -> memref<80x512xf32, #tpu.memory_space<vmem>>
    %dma_start3A_23 = arith.constant 0 : i32
    %dma_start3A_24 = arith.constant 0 : i32
    %dma_start3A_25 = tpu.memref_slice %arg2[%dma_start3A_23, %dma_start3A_24] : memref<16384x512xf32, #tpu.memory_space<hbm>> -> memref<16384x512xf32, #tpu.memory_space<hbm>>
    tpu.enqueue_indirect_dma source(%dma_start3A_25 : memref<16384x512xf32, #tpu.memory_space<hbm>>) target(%dma_start3A_22 : memref<80x512xf32, #tpu.memory_space<vmem>>) offsets(%arg10 : memref<80xi32, #tpu.memory_space<vmem>>) semaphore(%arg12 : memref<!tpu.dma_semaphore, #tpu.memory_space<semaphore_mem>>)
    %dma_wait3A = arith.constant 0 : i32
    %dma_wait3A_26 = arith.constant 0 : i32
    %dma_wait3A_27 = tpu.memref_slice %arg11[%dma_wait3A, %dma_wait3A_26] : memref<160x512xf32, #tpu.memory_space<vmem>> -> memref<80x512xf32, #tpu.memory_space<vmem>>
    %dma_wait3A_28 = arith.constant 0 : i32
    %dma_wait3A_29 = arith.constant 0 : i32
    %dma_wait3A_30 = tpu.memref_slice %arg2[%dma_wait3A_28, %dma_wait3A_29] : memref<16384x512xf32, #tpu.memory_space<hbm>> -> memref<16384x512xf32, #tpu.memory_space<hbm>>
    tpu.wait_indirect_dma semaphore(%arg12 : memref<!tpu.dma_semaphore, #tpu.memory_space<semaphore_mem>>) src(%dma_wait3A_30 : memref<16384x512xf32, #tpu.memory_space<hbm>>) dst(%dma_wait3A_27 : memref<80x512xf32, #tpu.memory_space<vmem>>)
    %dma_wait3A_31 = arith.constant 80 : i32
    %dma_wait3A_32 = arith.constant 0 : i32
    %dma_wait3A_33 = tpu.memref_slice %arg11[%dma_wait3A_31, %dma_wait3A_32] : memref<160x512xf32, #tpu.memory_space<vmem>> -> memref<80x512xf32, #tpu.memory_space<vmem>>
    %dma_wait3A_34 = arith.constant 0 : i32
    %dma_wait3A_35 = arith.constant 0 : i32
    %dma_wait3A_36 = tpu.memref_slice %arg2[%dma_wait3A_34, %dma_wait3A_35] : memref<16384x512xf32, #tpu.memory_space<hbm>> -> memref<16384x512xf32, #tpu.memory_space<hbm>>
    tpu.wait_indirect_dma semaphore(%arg12 : memref<!tpu.dma_semaphore, #tpu.memory_space<semaphore_mem>>) src(%dma_wait3A_36 : memref<16384x512xf32, #tpu.memory_space<hbm>>) dst(%dma_wait3A_33 : memref<80x512xf32, #tpu.memory_space<vmem>>)
    %mul3A_37 = arith.constant 16 : i32
    %mul3A_38 = arith.muli %arg0, %mul3A_37 : i32
    %add3A_39 = arith.addi %mul3A_38, %arg1 : i32
    %mul3A_40 = arith.constant 160 : i32
    %mul3A_41 = arith.muli %add3A_39, %mul3A_40 : i32
    "tpu.region"() ({
      %run_scoped3A = tpu.sem_alloc : memref<!tpu.dma_semaphore, #tpu.memory_space<semaphore_mem>>
      %dma_start3A_42 = arith.constant 0 : i32
      %dma_start3A_43 = tpu.memref_slice %arg5[%mul3A_41, %dma_start3A_42] : memref<5120x512xf32, #tpu.memory_space<hbm>> -> memref<160x512xf32, #tpu.memory_space<hbm>>
      %dma_start3A_44 = arith.constant 0 : i32
      %dma_start3A_45 = tpu.memref_slice %arg5[%mul3A_41, %dma_start3A_44] : memref<5120x512xf32, #tpu.memory_space<hbm>> -> memref<160x512xf32, #tpu.memory_space<hbm>>
      tpu.enqueue_dma source(%arg11 : memref<160x512xf32, #tpu.memory_space<vmem>>) target(%dma_start3A_45 : memref<160x512xf32, #tpu.memory_space<hbm>>) target_semaphore(%run_scoped3A : memref<!tpu.dma_semaphore, #tpu.memory_space<semaphore_mem>>)
      %dma_wait3A_46 = arith.constant 0 : i32
      %dma_wait3A_47 = tpu.memref_slice %arg5[%mul3A_41, %dma_wait3A_46] : memref<5120x512xf32, #tpu.memory_space<hbm>> -> memref<160x512xf32, #tpu.memory_space<hbm>>
      %dma_wait3A_48 = arith.constant 0 : i32
      %dma_wait3A_49 = tpu.memref_slice %arg5[%mul3A_41, %dma_wait3A_48] : memref<5120x512xf32, #tpu.memory_space<hbm>> -> memref<160x512xf32, #tpu.memory_space<hbm>>
      tpu.wait_dma2 semaphore(%run_scoped3A : memref<!tpu.dma_semaphore, #tpu.memory_space<semaphore_mem>>) src(%arg11 : memref<160x512xf32, #tpu.memory_space<vmem>>) dst(%dma_wait3A_49 : memref<160x512xf32, #tpu.memory_space<hbm>>)
      tpu.yield
    }) : () -> ()
    return
  }
}

module attributes {stable_mosaic.version = 14 : i64} {
  func.func @_stats_kernel(%arg0: memref<4x4096xi32, #tpu.memory_space<vmem>>, %arg1: memref<8x128xi32, #tpu.memory_space<vmem>>) attributes {dimension_semantics = [], scalar_prefetch = 0 : i64, scratch_operands = 0 : i64, tpu.core_type = #tpu.core_type<tc>} {
    %get3A = arith.constant 0 : index
    %get3A_0 = arith.constant 0 : index
    %get3A_1 = vector.load %arg0[%get3A, %get3A_0] : memref<4x4096xi32, #tpu.memory_space<vmem>>, vector<4x4096xi32>
    %reduce_max3A = arith.constant dense<-2147483648> : vector<4xi32>
    %reduce_max3A_2 = vector.multi_reduction <maxsi>, %get3A_1, %reduce_max3A [1] : vector<4x4096xi32> to vector<4xi32>
    %broadcast_in_dim3A = vector.shape_cast %reduce_max3A_2 : vector<4xi32> to vector<4x1xi32>
    %iota3A = tpu.iota {dimensions = array<i32: 1>} : vector<4x4096xi32>
    %eq3A = vector.broadcast %broadcast_in_dim3A : vector<4x1xi32> to vector<4x4096xi32>
    %eq3A_3 = arith.cmpi eq, %get3A_1, %eq3A : vector<4x4096xi32>
    %jit3A = arith.constant 4096 : i32
    %broadcast_in_dim3A_4 = vector.broadcast %jit3A : i32 to vector<4x4096xi32>
    %select_n3A = arith.select %eq3A_3, %iota3A, %broadcast_in_dim3A_4 : vector<4x4096xi1>, vector<4x4096xi32>
    %reduce_min3A = arith.constant dense<2147483647> : vector<4xi32>
    %reduce_min3A_5 = vector.multi_reduction <minsi>, %select_n3A, %reduce_min3A [1] : vector<4x4096xi32> to vector<4xi32>
    %broadcast_in_dim3A_6 = vector.shape_cast %reduce_min3A_5 : vector<4xi32> to vector<4x1xi32>
    %ne3A = arith.constant 0 : i32
    %ne3A_7 = vector.broadcast %ne3A : i32 to vector<4x4096xi32>
    %ne3A_8 = arith.cmpi ne, %get3A_1, %ne3A_7 : vector<4x4096xi32>
    %convert_element_type3A = arith.extui %ne3A_8 : vector<4x4096xi1> to vector<4x4096xi32>
    %reduce_sum3A = arith.constant dense<0> : vector<4xi32>
    %reduce_sum3A_9 = vector.multi_reduction <add>, %convert_element_type3A, %reduce_sum3A [1] : vector<4x4096xi32> to vector<4xi32>
    %broadcast_in_dim3A_10 = vector.shape_cast %reduce_sum3A_9 : vector<4xi32> to vector<4x1xi32>
    %swap3A = arith.constant 0 : index
    %swap3A_11 = arith.constant 0 : index
    %swap3A_12 = vector.load %arg1[%swap3A, %swap3A_11] : memref<8x128xi32, #tpu.memory_space<vmem>>, vector<4x1xi32>
    tpu.vector_store %arg1[%swap3A, %swap3A_11], %broadcast_in_dim3A_6 {strides = array<i32>} : memref<8x128xi32, #tpu.memory_space<vmem>>, vector<4x1xi32>,
    %swap3A_13 = arith.constant 0 : index
    %swap3A_14 = arith.constant 1 : index
    %swap3A_15 = vector.load %arg1[%swap3A_13, %swap3A_14] : memref<8x128xi32, #tpu.memory_space<vmem>>, vector<4x1xi32>
    tpu.vector_store %arg1[%swap3A_13, %swap3A_14], %broadcast_in_dim3A_10 {strides = array<i32>} : memref<8x128xi32, #tpu.memory_space<vmem>>, vector<4x1xi32>,
    return
  }
}

module attributes {stable_mosaic.version = 14 : i64} {
  func.func @_topk_kernel(%arg0: i32, %arg1: memref<8x128xi32, #tpu.memory_space<smem>>, %arg2: memref<1x8x4096xf32, #tpu.memory_space<vmem>>, %arg3: memref<1x1x4096xi32, #tpu.memory_space<vmem>>, %arg4: memref<1x1x4096xi32, #tpu.memory_space<vmem>>) attributes {dimension_semantics = [#tpu.dimension_semantics<arbitrary>], iteration_bounds = array<i64: 4>, scalar_prefetch = 1 : i64, scratch_operands = 0 : i64, tpu.core_type = #tpu.core_type<tc>, window_params = [{transform_indices = @transform_0, window_bounds = array<i64: 1, 8, 4096>}, {transform_indices = @transform_1, window_bounds = array<i64: 1, 1, 4096>}, {transform_indices = @transform_2, window_bounds = array<i64: 1, 1, 4096>}]} {
    %get3A = arith.index_cast %arg0 : i32 to index
    %get3A_0 = arith.constant 0 : index
    %get3A_1 = memref.load %arg1[%get3A, %get3A_0] : memref<8x128xi32, #tpu.memory_space<smem>>
    %jit3A = arith.constant 8 : i32
    %div3A = arith.divsi %get3A_1, %jit3A : i32
    %sign3A = arith.constant 0 : i32
    %sign3A_2 = arith.cmpi sgt, %get3A_1, %sign3A : i32
    %sign3A_3 = arith.extui %sign3A_2 : i1 to i32
    %sign3A_4 = arith.constant 0 : i32
    %sign3A_5 = arith.cmpi slt, %get3A_1, %sign3A_4 : i32
    %sign3A_6 = arith.extui %sign3A_5 : i1 to i32
    %sign3A_7 = arith.subi %sign3A_3, %sign3A_6 : i32
    %sign3A_8 = arith.constant 0 : i32
    %sign3A_9 = arith.cmpi sgt, %jit3A, %sign3A_8 : i32
    %sign3A_10 = arith.extui %sign3A_9 : i1 to i32
    %sign3A_11 = arith.constant 0 : i32
    %sign3A_12 = arith.cmpi slt, %jit3A, %sign3A_11 : i32
    %sign3A_13 = arith.extui %sign3A_12 : i1 to i32
    %sign3A_14 = arith.subi %sign3A_10, %sign3A_13 : i32
    %ne3A = arith.cmpi ne, %sign3A_7, %sign3A_14 : i32
    %rem3A = arith.remsi %get3A_1, %jit3A : i32
    %ne3A_15 = arith.constant 0 : i32
    %ne3A_16 = arith.cmpi ne, %rem3A, %ne3A_15 : i32
    %and3A = arith.andi %ne3A, %ne3A_16 : i1
    %sub3A = arith.constant 1 : i32
    %sub3A_17 = arith.subi %div3A, %sub3A : i32
    %select_n3A = arith.select %and3A, %sub3A_17, %div3A : i32
    %mul3A = arith.constant 8 : i32
    %mul3A_18 = arith.muli %select_n3A, %mul3A : i32
    %sub3A_19 = arith.subi %get3A_1, %mul3A_18 : i32
    %iota3A = tpu.iota {dimensions = array<i32: 0>} : vector<8x1xi32>
    %eq3A = vector.broadcast %sub3A_19 : i32 to vector<8x1xi32>
    %eq3A_20 = arith.cmpi eq, %iota3A, %eq3A : vector<8x1xi32>
    %convert_element_type3A = arith.extui %eq3A_20 : vector<8x1xi1> to vector<8x1xi32>
    %convert_element_type3A_21 = arith.sitofp %convert_element_type3A : vector<8x1xi32> to vector<8x1xf32>
    %get3A_22 = arith.constant 0 : index
    %get3A_23 = arith.constant 0 : index
    %get3A_24 = arith.constant 0 : index
    %get3A_25 = vector.load %arg2[%get3A_22, %get3A_23, %get3A_24] : memref<1x8x4096xf32, #tpu.memory_space<vmem>>, vector<1x8x4096xf32>
    %get3A_26 = vector.shape_cast %get3A_25 : vector<1x8x4096xf32> to vector<8x4096xf32>
    %mul3A_27 = vector.broadcast %convert_element_type3A_21 : vector<8x1xf32> to vector<8x4096xf32>
    %mul3A_28 = arith.mulf %get3A_26, %mul3A_27 : vector<8x4096xf32>
    %reduce_sum3A = arith.constant dense<0.000000e+00> : vector<4096xf32>
    %reduce_sum3A_29 = vector.multi_reduction <add>, %mul3A_28, %reduce_sum3A [0] : vector<8x4096xf32> to vector<4096xf32>
    %broadcast_in_dim3A = vector.shape_cast %reduce_sum3A_29 : vector<4096xf32> to vector<1x4096xf32>
    %iota3A_30 = tpu.iota {dimensions = array<i32: 1>} : vector<1x4096xi32>
    %eq3A_31 = arith.constant 0 : i32
    %eq3A_32 = vector.broadcast %eq3A_31 : i32 to vector<1x4096xi32>
    %eq3A_33 = arith.cmpi eq, %iota3A_30, %eq3A_32 : vector<1x4096xi32>
    %eq3A_34 = vector.broadcast %get3A_1 : i32 to vector<1x4096xi32>
    %eq3A_35 = arith.cmpi eq, %iota3A_30, %eq3A_34 : vector<1x4096xi32>
    %or3A = arith.ori %eq3A_33, %eq3A_35 : vector<1x4096xi1>
    %jit3A_36 = arith.constant -1.000000e+00 : f32
    %broadcast_in_dim3A_37 = vector.broadcast %jit3A_36 : f32 to vector<1x4096xf32>
    %select_n3A_38 = arith.select %or3A, %broadcast_in_dim3A_37, %broadcast_in_dim3A : vector<1x4096xi1>, vector<1x4096xf32>
    %get3A_39 = arith.constant 0 : index
    %get3A_40 = arith.constant 0 : index
    %get3A_41 = arith.constant 0 : index
    %get3A_42 = vector.load %arg3[%get3A_39, %get3A_40, %get3A_41] : memref<1x1x4096xi32, #tpu.memory_space<vmem>>, vector<1x1x4096xi32>
    %get3A_43 = vector.shape_cast %get3A_42 : vector<1x1x4096xi32> to vector<4096xi32>
    %reshape3A = vector.shape_cast %get3A_43 : vector<4096xi32> to vector<1x4096xi32>
    %ne3A_44 = arith.constant 0 : i32
    %ne3A_45 = vector.broadcast %ne3A_44 : i32 to vector<1x4096xi32>
    %ne3A_46 = arith.cmpi ne, %reshape3A, %ne3A_45 : vector<1x4096xi32>
    %convert_element_type3A_47 = arith.extui %ne3A_46 : vector<1x4096xi1> to vector<1x4096xi32>
    %convert_element_type3A_48 = arith.sitofp %convert_element_type3A_47 : vector<1x4096xi32> to vector<1x4096xf32>
    %mul3A_49 = arith.mulf %select_n3A_38, %convert_element_type3A_48 : vector<1x4096xf32>
    %add3A = arith.constant 0.000000e+00 : f32
    %add3A_50 = vector.broadcast %add3A : f32 to vector<1x4096xf32>
    %add3A_51 = arith.addf %mul3A_49, %add3A_50 : vector<1x4096xf32>
    %bitcast_convert_type3A = tpu.bitcast %add3A_51 : vector<1x4096xf32> -> vector<1x4096xi32>
    %bitcast_convert_type3A_52 = tpu.bitcast %add3A_51 : vector<1x4096xf32> -> vector<1x4096xi32>
    %lt3A = arith.constant 0 : i32
    %lt3A_53 = vector.broadcast %lt3A : i32 to vector<1x4096xi32>
    %lt3A_54 = arith.cmpi slt, %bitcast_convert_type3A, %lt3A_53 : vector<1x4096xi32>
    %not3A = arith.constant dense<-1> : vector<1x4096xi32>
    %not3A_55 = arith.xori %bitcast_convert_type3A_52, %not3A : vector<1x4096xi32>
    %or3A_56 = arith.constant -2147483648 : i32
    %or3A_57 = vector.broadcast %or3A_56 : i32 to vector<1x4096xi32>
    %or3A_58 = arith.ori %bitcast_convert_type3A_52, %or3A_57 : vector<1x4096xi32>
    %select_n3A_59 = arith.select %lt3A_54, %not3A_55, %or3A_58 : vector<1x4096xi1>, vector<1x4096xi32>
    %scan3A = arith.constant 0 : i32
    %scan3A_60 = arith.constant 0 : i32
    %scan3A_61 = arith.constant 32 : i32
    %scan3A_62 = arith.addi %scan3A_60, %scan3A_61 : i32
    %scan3A_63 = arith.constant 1 : i32
    %scan3A_64 = scf.for %scan3A_359 = %scan3A_60 to %scan3A_62 step %scan3A_63 iter_args(%scan3A_360 = %scan3A) -> (i32)  : i32 {
      %sub3A_361 = arith.constant 31 : i32
      %sub3A_362 = arith.subi %sub3A_361, %scan3A_359 : i32
      %shift_left3A = arith.constant 1 : i32
      %shift_left3A_363 = arith.shli %shift_left3A, %sub3A_362 : i32
      %or3A_364 = arith.ori %scan3A_360, %shift_left3A_363 : i32
      %ge3A = vector.broadcast %or3A_364 : i32 to vector<1x4096xi32>
      %ge3A_365 = arith.cmpi uge, %select_n3A_59, %ge3A : vector<1x4096xi32>
      %convert_element_type3A_366 = arith.extui %ge3A_365 : vector<1x4096xi1> to vector<1x4096xi32>
      %reduce_sum3A_367 = vector.shape_cast %convert_element_type3A_366 : vector<1x4096xi32> to vector<1x1x4096xi32>
      %reduce_sum3A_368 = arith.constant dense<0> : vector<1xi32>
      %reduce_sum3A_369 = vector.multi_reduction <add>, %reduce_sum3A_367, %reduce_sum3A_368 [1, 2] : vector<1x1x4096xi32> to vector<1xi32>
      %reduce_sum3A_370 = vector.shape_cast %reduce_sum3A_369 : vector<1xi32> to vector<1x1x1xi32>
      %reduce_sum3A_371 = vector.extract %reduce_sum3A_370[0, 0, 0] : i32 from vector<1x1x1xi32>
      %ge3A_372 = arith.constant 1228 : i32
      %ge3A_373 = arith.cmpi sge, %reduce_sum3A_371, %ge3A_372 : i32
      %select_n3A_374 = arith.select %ge3A_373, %or3A_364, %scan3A_360 : i32
      scf.yield %select_n3A_374 : i32
    }
    %scan3A_65 = arith.constant 32 : i32
    %gt3A = vector.broadcast %scan3A_64 : i32 to vector<1x4096xi32>
    %gt3A_66 = arith.cmpi ugt, %select_n3A_59, %gt3A : vector<1x4096xi32>
    %eq3A_67 = vector.broadcast %scan3A_64 : i32 to vector<1x4096xi32>
    %eq3A_68 = arith.cmpi eq, %select_n3A_59, %eq3A_67 : vector<1x4096xi32>
    %convert_element_type3A_69 = arith.extui %gt3A_66 : vector<1x4096xi1> to vector<1x4096xi32>
    %reduce_sum3A_70 = vector.shape_cast %convert_element_type3A_69 : vector<1x4096xi32> to vector<1x1x4096xi32>
    %reduce_sum3A_71 = arith.constant dense<0> : vector<1xi32>
    %reduce_sum3A_72 = vector.multi_reduction <add>, %reduce_sum3A_70, %reduce_sum3A_71 [1, 2] : vector<1x1x4096xi32> to vector<1xi32>
    %reduce_sum3A_73 = vector.shape_cast %reduce_sum3A_72 : vector<1xi32> to vector<1x1x1xi32>
    %reduce_sum3A_74 = vector.extract %reduce_sum3A_73[0, 0, 0] : i32 from vector<1x1x1xi32>
    %sub3A_75 = arith.constant 1228 : i32
    %sub3A_76 = arith.subi %sub3A_75, %reduce_sum3A_74 : i32
    %convert_element_type3A_77 = arith.sitofp %sub3A_76 : i32 to f32
    %convert_element_type3A_78 = arith.extui %eq3A_68 : vector<1x4096xi1> to vector<1x4096xi32>
    %convert_element_type3A_79 = arith.sitofp %convert_element_type3A_78 : vector<1x4096xi32> to vector<1x4096xf32>
    %iota3A_80 = tpu.iota {dimensions = array<i32: 0>} : vector<512x512xi32>
    %iota3A_81 = tpu.iota {dimensions = array<i32: 1>} : vector<512x512xi32>
    %le3A = arith.cmpi sle, %iota3A_80, %iota3A_81 : vector<512x512xi32>
    %convert_element_type3A_82 = arith.extui %le3A : vector<512x512xi1> to vector<512x512xi32>
    %convert_element_type3A_83 = arith.sitofp %convert_element_type3A_82 : vector<512x512xi32> to vector<512x512xf32>
    %broadcast_in_dim3A_84 = arith.constant 0.000000e+00 : f32
    %broadcast_in_dim3A_85 = vector.broadcast %broadcast_in_dim3A_84 : f32 to vector<1x1xf32>
    %slice3A = vector.extract_strided_slice %convert_element_type3A_79 {offsets = [0, 0], sizes = [1, 512], strides = [1, 1]} : vector<1x4096xf32> to vector<1x512xf32>
    %dot_general3A = arith.constant dense<0.000000e+00> : vector<1x512xf32>
    %dot_general3A_86 = tpu.matmul %slice3A, %convert_element_type3A_83, %dot_general3A {dimension_numbers = #tpu.dot_dimension_numbers<[1], [0], [0], [1], [0, 0, 1, 1], [], []>, transpose_lhs_hint = false} : vector<1x512xf32>, vector<512x512xf32>, vector<1x512xf32> -> vector<1x512xf32>
    %add3A_87 = vector.broadcast %broadcast_in_dim3A_85 : vector<1x1xf32> to vector<1x512xf32>
    %add3A_88 = arith.addf %dot_general3A_86, %add3A_87 : vector<1x512xf32>
    %reduce_sum3A_89 = vector.shape_cast %slice3A : vector<1x512xf32> to vector<1x1x512xf32>
    %reduce_sum3A_90 = arith.constant dense<0.000000e+00> : vector<1xf32>
    %reduce_sum3A_91 = vector.multi_reduction <add>, %reduce_sum3A_89, %reduce_sum3A_90 [1, 2] : vector<1x1x512xf32> to vector<1xf32>
    %reduce_sum3A_92 = vector.shape_cast %reduce_sum3A_91 : vector<1xf32> to vector<1x1x1xf32>
    %reduce_sum3A_93 = vector.extract %reduce_sum3A_92[0, 0, 0] : f32 from vector<1x1x1xf32>
    %broadcast_in_dim3A_94 = vector.broadcast %reduce_sum3A_93 : f32 to vector<1x1xf32>
    %add3A_95 = arith.addf %broadcast_in_dim3A_85, %broadcast_in_dim3A_94 : vector<1x1xf32>
    %slice3A_96 = vector.extract_strided_slice %convert_element_type3A_79 {offsets = [0, 512], sizes = [1, 512], strides = [1, 1]} : vector<1x4096xf32> to vector<1x512xf32>
    %dot_general3A_97 = arith.constant dense<0.000000e+00> : vector<1x512xf32>
    %dot_general3A_98 = tpu.matmul %slice3A_96, %convert_element_type3A_83, %dot_general3A_97 {dimension_numbers = #tpu.dot_dimension_numbers<[1], [0], [0], [1], [0, 0, 1, 1], [], []>, transpose_lhs_hint = false} : vector<1x512xf32>, vector<512x512xf32>, vector<1x512xf32> -> vector<1x512xf32>
    %add3A_99 = vector.broadcast %add3A_95 : vector<1x1xf32> to vector<1x512xf32>
    %add3A_100 = arith.addf %dot_general3A_98, %add3A_99 : vector<1x512xf32>
    %reduce_sum3A_101 = vector.shape_cast %slice3A_96 : vector<1x512xf32> to vector<1x1x512xf32>
    %reduce_sum3A_102 = arith.constant dense<0.000000e+00> : vector<1xf32>
    %reduce_sum3A_103 = vector.multi_reduction <add>, %reduce_sum3A_101, %reduce_sum3A_102 [1, 2] : vector<1x1x512xf32> to vector<1xf32>
    %reduce_sum3A_104 = vector.shape_cast %reduce_sum3A_103 : vector<1xf32> to vector<1x1x1xf32>
    %reduce_sum3A_105 = vector.extract %reduce_sum3A_104[0, 0, 0] : f32 from vector<1x1x1xf32>
    %broadcast_in_dim3A_106 = vector.broadcast %reduce_sum3A_105 : f32 to vector<1x1xf32>
    %add3A_107 = arith.addf %add3A_95, %broadcast_in_dim3A_106 : vector<1x1xf32>
    %slice3A_108 = vector.extract_strided_slice %convert_element_type3A_79 {offsets = [0, 1024], sizes = [1, 512], strides = [1, 1]} : vector<1x4096xf32> to vector<1x512xf32>
    %dot_general3A_109 = arith.constant dense<0.000000e+00> : vector<1x512xf32>
    %dot_general3A_110 = tpu.matmul %slice3A_108, %convert_element_type3A_83, %dot_general3A_109 {dimension_numbers = #tpu.dot_dimension_numbers<[1], [0], [0], [1], [0, 0, 1, 1], [], []>, transpose_lhs_hint = false} : vector<1x512xf32>, vector<512x512xf32>, vector<1x512xf32> -> vector<1x512xf32>
    %add3A_111 = vector.broadcast %add3A_107 : vector<1x1xf32> to vector<1x512xf32>
    %add3A_112 = arith.addf %dot_general3A_110, %add3A_111 : vector<1x512xf32>
    %reduce_sum3A_113 = vector.shape_cast %slice3A_108 : vector<1x512xf32> to vector<1x1x512xf32>
    %reduce_sum3A_114 = arith.constant dense<0.000000e+00> : vector<1xf32>
    %reduce_sum3A_115 = vector.multi_reduction <add>, %reduce_sum3A_113, %reduce_sum3A_114 [1, 2] : vector<1x1x512xf32> to vector<1xf32>
    %reduce_sum3A_116 = vector.shape_cast %reduce_sum3A_115 : vector<1xf32> to vector<1x1x1xf32>
    %reduce_sum3A_117 = vector.extract %reduce_sum3A_116[0, 0, 0] : f32 from vector<1x1x1xf32>
    %broadcast_in_dim3A_118 = vector.broadcast %reduce_sum3A_117 : f32 to vector<1x1xf32>
    %add3A_119 = arith.addf %add3A_107, %broadcast_in_dim3A_118 : vector<1x1xf32>
    %slice3A_120 = vector.extract_strided_slice %convert_element_type3A_79 {offsets = [0, 1536], sizes = [1, 512], strides = [1, 1]} : vector<1x4096xf32> to vector<1x512xf32>
    %dot_general3A_121 = arith.constant dense<0.000000e+00> : vector<1x512xf32>
    %dot_general3A_122 = tpu.matmul %slice3A_120, %convert_element_type3A_83, %dot_general3A_121 {dimension_numbers = #tpu.dot_dimension_numbers<[1], [0], [0], [1], [0, 0, 1, 1], [], []>, transpose_lhs_hint = false} : vector<1x512xf32>, vector<512x512xf32>, vector<1x512xf32> -> vector<1x512xf32>
    %add3A_123 = vector.broadcast %add3A_119 : vector<1x1xf32> to vector<1x512xf32>
    %add3A_124 = arith.addf %dot_general3A_122, %add3A_123 : vector<1x512xf32>
    %reduce_sum3A_125 = vector.shape_cast %slice3A_120 : vector<1x512xf32> to vector<1x1x512xf32>
    %reduce_sum3A_126 = arith.constant dense<0.000000e+00> : vector<1xf32>
    %reduce_sum3A_127 = vector.multi_reduction <add>, %reduce_sum3A_125, %reduce_sum3A_126 [1, 2] : vector<1x1x512xf32> to vector<1xf32>
    %reduce_sum3A_128 = vector.shape_cast %reduce_sum3A_127 : vector<1xf32> to vector<1x1x1xf32>
    %reduce_sum3A_129 = vector.extract %reduce_sum3A_128[0, 0, 0] : f32 from vector<1x1x1xf32>
    %broadcast_in_dim3A_130 = vector.broadcast %reduce_sum3A_129 : f32 to vector<1x1xf32>
    %add3A_131 = arith.addf %add3A_119, %broadcast_in_dim3A_130 : vector<1x1xf32>
    %slice3A_132 = vector.extract_strided_slice %convert_element_type3A_79 {offsets = [0, 2048], sizes = [1, 512], strides = [1, 1]} : vector<1x4096xf32> to vector<1x512xf32>
    %dot_general3A_133 = arith.constant dense<0.000000e+00> : vector<1x512xf32>
    %dot_general3A_134 = tpu.matmul %slice3A_132, %convert_element_type3A_83, %dot_general3A_133 {dimension_numbers = #tpu.dot_dimension_numbers<[1], [0], [0], [1], [0, 0, 1, 1], [], []>, transpose_lhs_hint = false} : vector<1x512xf32>, vector<512x512xf32>, vector<1x512xf32> -> vector<1x512xf32>
    %add3A_135 = vector.broadcast %add3A_131 : vector<1x1xf32> to vector<1x512xf32>
    %add3A_136 = arith.addf %dot_general3A_134, %add3A_135 : vector<1x512xf32>
    %reduce_sum3A_137 = vector.shape_cast %slice3A_132 : vector<1x512xf32> to vector<1x1x512xf32>
    %reduce_sum3A_138 = arith.constant dense<0.000000e+00> : vector<1xf32>
    %reduce_sum3A_139 = vector.multi_reduction <add>, %reduce_sum3A_137, %reduce_sum3A_138 [1, 2] : vector<1x1x512xf32> to vector<1xf32>
    %reduce_sum3A_140 = vector.shape_cast %reduce_sum3A_139 : vector<1xf32> to vector<1x1x1xf32>
    %reduce_sum3A_141 = vector.extract %reduce_sum3A_140[0, 0, 0] : f32 from vector<1x1x1xf32>
    %broadcast_in_dim3A_142 = vector.broadcast %reduce_sum3A_141 : f32 to vector<1x1xf32>
    %add3A_143 = arith.addf %add3A_131, %broadcast_in_dim3A_142 : vector<1x1xf32>
    %slice3A_144 = vector.extract_strided_slice %convert_element_type3A_79 {offsets = [0, 2560], sizes = [1, 512], strides = [1, 1]} : vector<1x4096xf32> to vector<1x512xf32>
    %dot_general3A_145 = arith.constant dense<0.000000e+00> : vector<1x512xf32>
    %dot_general3A_146 = tpu.matmul %slice3A_144, %convert_element_type3A_83, %dot_general3A_145 {dimension_numbers = #tpu.dot_dimension_numbers<[1], [0], [0], [1], [0, 0, 1, 1], [], []>, transpose_lhs_hint = false} : vector<1x512xf32>, vector<512x512xf32>, vector<1x512xf32> -> vector<1x512xf32>
    %add3A_147 = vector.broadcast %add3A_143 : vector<1x1xf32> to vector<1x512xf32>
    %add3A_148 = arith.addf %dot_general3A_146, %add3A_147 : vector<1x512xf32>
    %reduce_sum3A_149 = vector.shape_cast %slice3A_144 : vector<1x512xf32> to vector<1x1x512xf32>
    %reduce_sum3A_150 = arith.constant dense<0.000000e+00> : vector<1xf32>
    %reduce_sum3A_151 = vector.multi_reduction <add>, %reduce_sum3A_149, %reduce_sum3A_150 [1, 2] : vector<1x1x512xf32> to vector<1xf32>
    %reduce_sum3A_152 = vector.shape_cast %reduce_sum3A_151 : vector<1xf32> to vector<1x1x1xf32>
    %reduce_sum3A_153 = vector.extract %reduce_sum3A_152[0, 0, 0] : f32 from vector<1x1x1xf32>
    %broadcast_in_dim3A_154 = vector.broadcast %reduce_sum3A_153 : f32 to vector<1x1xf32>
    %add3A_155 = arith.addf %add3A_143, %broadcast_in_dim3A_154 : vector<1x1xf32>
    %slice3A_156 = vector.extract_strided_slice %convert_element_type3A_79 {offsets = [0, 3072], sizes = [1, 512], strides = [1, 1]} : vector<1x4096xf32> to vector<1x512xf32>
    %dot_general3A_157 = arith.constant dense<0.000000e+00> : vector<1x512xf32>
    %dot_general3A_158 = tpu.matmul %slice3A_156, %convert_element_type3A_83, %dot_general3A_157 {dimension_numbers = #tpu.dot_dimension_numbers<[1], [0], [0], [1], [0, 0, 1, 1], [], []>, transpose_lhs_hint = false} : vector<1x512xf32>, vector<512x512xf32>, vector<1x512xf32> -> vector<1x512xf32>
    %add3A_159 = vector.broadcast %add3A_155 : vector<1x1xf32> to vector<1x512xf32>
    %add3A_160 = arith.addf %dot_general3A_158, %add3A_159 : vector<1x512xf32>
    %reduce_sum3A_161 = vector.shape_cast %slice3A_156 : vector<1x512xf32> to vector<1x1x512xf32>
    %reduce_sum3A_162 = arith.constant dense<0.000000e+00> : vector<1xf32>
    %reduce_sum3A_163 = vector.multi_reduction <add>, %reduce_sum3A_161, %reduce_sum3A_162 [1, 2] : vector<1x1x512xf32> to vector<1xf32>
    %reduce_sum3A_164 = vector.shape_cast %reduce_sum3A_163 : vector<1xf32> to vector<1x1x1xf32>
    %reduce_sum3A_165 = vector.extract %reduce_sum3A_164[0, 0, 0] : f32 from vector<1x1x1xf32>
    %broadcast_in_dim3A_166 = vector.broadcast %reduce_sum3A_165 : f32 to vector<1x1xf32>
    %add3A_167 = arith.addf %add3A_155, %broadcast_in_dim3A_166 : vector<1x1xf32>
    %slice3A_168 = vector.extract_strided_slice %convert_element_type3A_79 {offsets = [0, 3584], sizes = [1, 512], strides = [1, 1]} : vector<1x4096xf32> to vector<1x512xf32>
    %dot_general3A_169 = arith.constant dense<0.000000e+00> : vector<1x512xf32>
    %dot_general3A_170 = tpu.matmul %slice3A_168, %convert_element_type3A_83, %dot_general3A_169 {dimension_numbers = #tpu.dot_dimension_numbers<[1], [0], [0], [1], [0, 0, 1, 1], [], []>, transpose_lhs_hint = false} : vector<1x512xf32>, vector<512x512xf32>, vector<1x512xf32> -> vector<1x512xf32>
    %add3A_171 = vector.broadcast %add3A_167 : vector<1x1xf32> to vector<1x512xf32>
    %add3A_172 = arith.addf %dot_general3A_170, %add3A_171 : vector<1x512xf32>
    %concatenate3A = tpu.concatenate %add3A_88, %add3A_100, %add3A_112, %add3A_124, %add3A_136, %add3A_148, %add3A_160, %add3A_172 in 1 : vector<1x512xf32>, vector<1x512xf32>, vector<1x512xf32>, vector<1x512xf32>, vector<1x512xf32>, vector<1x512xf32>, vector<1x512xf32>, vector<1x512xf32> -> vector<1x4096xf32>
    %le3A_173 = vector.broadcast %convert_element_type3A_77 : f32 to vector<1x4096xf32>
    %le3A_174 = arith.cmpf ole, %concatenate3A, %le3A_173 : vector<1x4096xf32>
    %and3A_175 = arith.andi %eq3A_68, %le3A_174 : vector<1x4096xi1>
    %or3A_176 = arith.ori %gt3A_66, %and3A_175 : vector<1x4096xi1>
    %convert_element_type3A_177 = arith.extui %or3A_176 : vector<1x4096xi1> to vector<1x4096xi32>
    %convert_element_type3A_178 = arith.sitofp %convert_element_type3A_177 : vector<1x4096xi32> to vector<1x4096xf32>
    %iota3A_179 = tpu.iota {dimensions = array<i32: 0>} : vector<512x512xi32>
    %iota3A_180 = tpu.iota {dimensions = array<i32: 1>} : vector<512x512xi32>
    %le3A_181 = arith.cmpi sle, %iota3A_179, %iota3A_180 : vector<512x512xi32>
    %convert_element_type3A_182 = arith.extui %le3A_181 : vector<512x512xi1> to vector<512x512xi32>
    %convert_element_type3A_183 = arith.sitofp %convert_element_type3A_182 : vector<512x512xi32> to vector<512x512xf32>
    %broadcast_in_dim3A_184 = arith.constant 0.000000e+00 : f32
    %broadcast_in_dim3A_185 = vector.broadcast %broadcast_in_dim3A_184 : f32 to vector<1x1xf32>
    %slice3A_186 = vector.extract_strided_slice %convert_element_type3A_178 {offsets = [0, 0], sizes = [1, 512], strides = [1, 1]} : vector<1x4096xf32> to vector<1x512xf32>
    %dot_general3A_187 = arith.constant dense<0.000000e+00> : vector<1x512xf32>
    %dot_general3A_188 = tpu.matmul %slice3A_186, %convert_element_type3A_183, %dot_general3A_187 {dimension_numbers = #tpu.dot_dimension_numbers<[1], [0], [0], [1], [0, 0, 1, 1], [], []>, transpose_lhs_hint = false} : vector<1x512xf32>, vector<512x512xf32>, vector<1x512xf32> -> vector<1x512xf32>
    %add3A_189 = vector.broadcast %broadcast_in_dim3A_185 : vector<1x1xf32> to vector<1x512xf32>
    %add3A_190 = arith.addf %dot_general3A_188, %add3A_189 : vector<1x512xf32>
    %reduce_sum3A_191 = vector.shape_cast %slice3A_186 : vector<1x512xf32> to vector<1x1x512xf32>
    %reduce_sum3A_192 = arith.constant dense<0.000000e+00> : vector<1xf32>
    %reduce_sum3A_193 = vector.multi_reduction <add>, %reduce_sum3A_191, %reduce_sum3A_192 [1, 2] : vector<1x1x512xf32> to vector<1xf32>
    %reduce_sum3A_194 = vector.shape_cast %reduce_sum3A_193 : vector<1xf32> to vector<1x1x1xf32>
    %reduce_sum3A_195 = vector.extract %reduce_sum3A_194[0, 0, 0] : f32 from vector<1x1x1xf32>
    %broadcast_in_dim3A_196 = vector.broadcast %reduce_sum3A_195 : f32 to vector<1x1xf32>
    %add3A_197 = arith.addf %broadcast_in_dim3A_185, %broadcast_in_dim3A_196 : vector<1x1xf32>
    %slice3A_198 = vector.extract_strided_slice %convert_element_type3A_178 {offsets = [0, 512], sizes = [1, 512], strides = [1, 1]} : vector<1x4096xf32> to vector<1x512xf32>
    %dot_general3A_199 = arith.constant dense<0.000000e+00> : vector<1x512xf32>
    %dot_general3A_200 = tpu.matmul %slice3A_198, %convert_element_type3A_183, %dot_general3A_199 {dimension_numbers = #tpu.dot_dimension_numbers<[1], [0], [0], [1], [0, 0, 1, 1], [], []>, transpose_lhs_hint = false} : vector<1x512xf32>, vector<512x512xf32>, vector<1x512xf32> -> vector<1x512xf32>
    %add3A_201 = vector.broadcast %add3A_197 : vector<1x1xf32> to vector<1x512xf32>
    %add3A_202 = arith.addf %dot_general3A_200, %add3A_201 : vector<1x512xf32>
    %reduce_sum3A_203 = vector.shape_cast %slice3A_198 : vector<1x512xf32> to vector<1x1x512xf32>
    %reduce_sum3A_204 = arith.constant dense<0.000000e+00> : vector<1xf32>
    %reduce_sum3A_205 = vector.multi_reduction <add>, %reduce_sum3A_203, %reduce_sum3A_204 [1, 2] : vector<1x1x512xf32> to vector<1xf32>
    %reduce_sum3A_206 = vector.shape_cast %reduce_sum3A_205 : vector<1xf32> to vector<1x1x1xf32>
    %reduce_sum3A_207 = vector.extract %reduce_sum3A_206[0, 0, 0] : f32 from vector<1x1x1xf32>
    %broadcast_in_dim3A_208 = vector.broadcast %reduce_sum3A_207 : f32 to vector<1x1xf32>
    %add3A_209 = arith.addf %add3A_197, %broadcast_in_dim3A_208 : vector<1x1xf32>
    %slice3A_210 = vector.extract_strided_slice %convert_element_type3A_178 {offsets = [0, 1024], sizes = [1, 512], strides = [1, 1]} : vector<1x4096xf32> to vector<1x512xf32>
    %dot_general3A_211 = arith.constant dense<0.000000e+00> : vector<1x512xf32>
    %dot_general3A_212 = tpu.matmul %slice3A_210, %convert_element_type3A_183, %dot_general3A_211 {dimension_numbers = #tpu.dot_dimension_numbers<[1], [0], [0], [1], [0, 0, 1, 1], [], []>, transpose_lhs_hint = false} : vector<1x512xf32>, vector<512x512xf32>, vector<1x512xf32> -> vector<1x512xf32>
    %add3A_213 = vector.broadcast %add3A_209 : vector<1x1xf32> to vector<1x512xf32>
    %add3A_214 = arith.addf %dot_general3A_212, %add3A_213 : vector<1x512xf32>
    %reduce_sum3A_215 = vector.shape_cast %slice3A_210 : vector<1x512xf32> to vector<1x1x512xf32>
    %reduce_sum3A_216 = arith.constant dense<0.000000e+00> : vector<1xf32>
    %reduce_sum3A_217 = vector.multi_reduction <add>, %reduce_sum3A_215, %reduce_sum3A_216 [1, 2] : vector<1x1x512xf32> to vector<1xf32>
    %reduce_sum3A_218 = vector.shape_cast %reduce_sum3A_217 : vector<1xf32> to vector<1x1x1xf32>
    %reduce_sum3A_219 = vector.extract %reduce_sum3A_218[0, 0, 0] : f32 from vector<1x1x1xf32>
    %broadcast_in_dim3A_220 = vector.broadcast %reduce_sum3A_219 : f32 to vector<1x1xf32>
    %add3A_221 = arith.addf %add3A_209, %broadcast_in_dim3A_220 : vector<1x1xf32>
    %slice3A_222 = vector.extract_strided_slice %convert_element_type3A_178 {offsets = [0, 1536], sizes = [1, 512], strides = [1, 1]} : vector<1x4096xf32> to vector<1x512xf32>
    %dot_general3A_223 = arith.constant dense<0.000000e+00> : vector<1x512xf32>
    %dot_general3A_224 = tpu.matmul %slice3A_222, %convert_element_type3A_183, %dot_general3A_223 {dimension_numbers = #tpu.dot_dimension_numbers<[1], [0], [0], [1], [0, 0, 1, 1], [], []>, transpose_lhs_hint = false} : vector<1x512xf32>, vector<512x512xf32>, vector<1x512xf32> -> vector<1x512xf32>
    %add3A_225 = vector.broadcast %add3A_221 : vector<1x1xf32> to vector<1x512xf32>
    %add3A_226 = arith.addf %dot_general3A_224, %add3A_225 : vector<1x512xf32>
    %reduce_sum3A_227 = vector.shape_cast %slice3A_222 : vector<1x512xf32> to vector<1x1x512xf32>
    %reduce_sum3A_228 = arith.constant dense<0.000000e+00> : vector<1xf32>
    %reduce_sum3A_229 = vector.multi_reduction <add>, %reduce_sum3A_227, %reduce_sum3A_228 [1, 2] : vector<1x1x512xf32> to vector<1xf32>
    %reduce_sum3A_230 = vector.shape_cast %reduce_sum3A_229 : vector<1xf32> to vector<1x1x1xf32>
    %reduce_sum3A_231 = vector.extract %reduce_sum3A_230[0, 0, 0] : f32 from vector<1x1x1xf32>
    %broadcast_in_dim3A_232 = vector.broadcast %reduce_sum3A_231 : f32 to vector<1x1xf32>
    %add3A_233 = arith.addf %add3A_221, %broadcast_in_dim3A_232 : vector<1x1xf32>
    %slice3A_234 = vector.extract_strided_slice %convert_element_type3A_178 {offsets = [0, 2048], sizes = [1, 512], strides = [1, 1]} : vector<1x4096xf32> to vector<1x512xf32>
    %dot_general3A_235 = arith.constant dense<0.000000e+00> : vector<1x512xf32>
    %dot_general3A_236 = tpu.matmul %slice3A_234, %convert_element_type3A_183, %dot_general3A_235 {dimension_numbers = #tpu.dot_dimension_numbers<[1], [0], [0], [1], [0, 0, 1, 1], [], []>, transpose_lhs_hint = false} : vector<1x512xf32>, vector<512x512xf32>, vector<1x512xf32> -> vector<1x512xf32>
    %add3A_237 = vector.broadcast %add3A_233 : vector<1x1xf32> to vector<1x512xf32>
    %add3A_238 = arith.addf %dot_general3A_236, %add3A_237 : vector<1x512xf32>
    %reduce_sum3A_239 = vector.shape_cast %slice3A_234 : vector<1x512xf32> to vector<1x1x512xf32>
    %reduce_sum3A_240 = arith.constant dense<0.000000e+00> : vector<1xf32>
    %reduce_sum3A_241 = vector.multi_reduction <add>, %reduce_sum3A_239, %reduce_sum3A_240 [1, 2] : vector<1x1x512xf32> to vector<1xf32>
    %reduce_sum3A_242 = vector.shape_cast %reduce_sum3A_241 : vector<1xf32> to vector<1x1x1xf32>
    %reduce_sum3A_243 = vector.extract %reduce_sum3A_242[0, 0, 0] : f32 from vector<1x1x1xf32>
    %broadcast_in_dim3A_244 = vector.broadcast %reduce_sum3A_243 : f32 to vector<1x1xf32>
    %add3A_245 = arith.addf %add3A_233, %broadcast_in_dim3A_244 : vector<1x1xf32>
    %slice3A_246 = vector.extract_strided_slice %convert_element_type3A_178 {offsets = [0, 2560], sizes = [1, 512], strides = [1, 1]} : vector<1x4096xf32> to vector<1x512xf32>
    %dot_general3A_247 = arith.constant dense<0.000000e+00> : vector<1x512xf32>
    %dot_general3A_248 = tpu.matmul %slice3A_246, %convert_element_type3A_183, %dot_general3A_247 {dimension_numbers = #tpu.dot_dimension_numbers<[1], [0], [0], [1], [0, 0, 1, 1], [], []>, transpose_lhs_hint = false} : vector<1x512xf32>, vector<512x512xf32>, vector<1x512xf32> -> vector<1x512xf32>
    %add3A_249 = vector.broadcast %add3A_245 : vector<1x1xf32> to vector<1x512xf32>
    %add3A_250 = arith.addf %dot_general3A_248, %add3A_249 : vector<1x512xf32>
    %reduce_sum3A_251 = vector.shape_cast %slice3A_246 : vector<1x512xf32> to vector<1x1x512xf32>
    %reduce_sum3A_252 = arith.constant dense<0.000000e+00> : vector<1xf32>
    %reduce_sum3A_253 = vector.multi_reduction <add>, %reduce_sum3A_251, %reduce_sum3A_252 [1, 2] : vector<1x1x512xf32> to vector<1xf32>
    %reduce_sum3A_254 = vector.shape_cast %reduce_sum3A_253 : vector<1xf32> to vector<1x1x1xf32>
    %reduce_sum3A_255 = vector.extract %reduce_sum3A_254[0, 0, 0] : f32 from vector<1x1x1xf32>
    %broadcast_in_dim3A_256 = vector.broadcast %reduce_sum3A_255 : f32 to vector<1x1xf32>
    %add3A_257 = arith.addf %add3A_245, %broadcast_in_dim3A_256 : vector<1x1xf32>
    %slice3A_258 = vector.extract_strided_slice %convert_element_type3A_178 {offsets = [0, 3072], sizes = [1, 512], strides = [1, 1]} : vector<1x4096xf32> to vector<1x512xf32>
    %dot_general3A_259 = arith.constant dense<0.000000e+00> : vector<1x512xf32>
    %dot_general3A_260 = tpu.matmul %slice3A_258, %convert_element_type3A_183, %dot_general3A_259 {dimension_numbers = #tpu.dot_dimension_numbers<[1], [0], [0], [1], [0, 0, 1, 1], [], []>, transpose_lhs_hint = false} : vector<1x512xf32>, vector<512x512xf32>, vector<1x512xf32> -> vector<1x512xf32>
    %add3A_261 = vector.broadcast %add3A_257 : vector<1x1xf32> to vector<1x512xf32>
    %add3A_262 = arith.addf %dot_general3A_260, %add3A_261 : vector<1x512xf32>
    %reduce_sum3A_263 = vector.shape_cast %slice3A_258 : vector<1x512xf32> to vector<1x1x512xf32>
    %reduce_sum3A_264 = arith.constant dense<0.000000e+00> : vector<1xf32>
    %reduce_sum3A_265 = vector.multi_reduction <add>, %reduce_sum3A_263, %reduce_sum3A_264 [1, 2] : vector<1x1x512xf32> to vector<1xf32>
    %reduce_sum3A_266 = vector.shape_cast %reduce_sum3A_265 : vector<1xf32> to vector<1x1x1xf32>
    %reduce_sum3A_267 = vector.extract %reduce_sum3A_266[0, 0, 0] : f32 from vector<1x1x1xf32>
    %broadcast_in_dim3A_268 = vector.broadcast %reduce_sum3A_267 : f32 to vector<1x1xf32>
    %add3A_269 = arith.addf %add3A_257, %broadcast_in_dim3A_268 : vector<1x1xf32>
    %slice3A_270 = vector.extract_strided_slice %convert_element_type3A_178 {offsets = [0, 3584], sizes = [1, 512], strides = [1, 1]} : vector<1x4096xf32> to vector<1x512xf32>
    %dot_general3A_271 = arith.constant dense<0.000000e+00> : vector<1x512xf32>
    %dot_general3A_272 = tpu.matmul %slice3A_270, %convert_element_type3A_183, %dot_general3A_271 {dimension_numbers = #tpu.dot_dimension_numbers<[1], [0], [0], [1], [0, 0, 1, 1], [], []>, transpose_lhs_hint = false} : vector<1x512xf32>, vector<512x512xf32>, vector<1x512xf32> -> vector<1x512xf32>
    %add3A_273 = vector.broadcast %add3A_269 : vector<1x1xf32> to vector<1x512xf32>
    %add3A_274 = arith.addf %dot_general3A_272, %add3A_273 : vector<1x512xf32>
    %concatenate3A_275 = tpu.concatenate %add3A_190, %add3A_202, %add3A_214, %add3A_226, %add3A_238, %add3A_250, %add3A_262, %add3A_274 in 1 : vector<1x512xf32>, vector<1x512xf32>, vector<1x512xf32>, vector<1x512xf32>, vector<1x512xf32>, vector<1x512xf32>, vector<1x512xf32>, vector<1x512xf32> -> vector<1x4096xf32>
    %sub3A_276 = arith.constant 1.000000e+00 : f32
    %sub3A_277 = vector.broadcast %sub3A_276 : f32 to vector<1x4096xf32>
    %sub3A_278 = arith.subf %concatenate3A_275, %sub3A_277 : vector<1x4096xf32>
    %convert_element_type3A_279 = arith.fptosi %sub3A_278 : vector<1x4096xf32> to vector<1x4096xi32>
    %sub3A_280 = arith.subi %iota3A_30, %convert_element_type3A_279 : vector<1x4096xi32>
    %sub3A_281 = arith.constant 1 : i32
    %sub3A_282 = vector.broadcast %sub3A_281 : i32 to vector<1x4096xi32>
    %sub3A_283 = arith.subi %sub3A_280, %sub3A_282 : vector<1x4096xi32>
    %jit3A_284 = arith.constant 52 : i32
    %div3A_285 = vector.broadcast %jit3A_284 : i32 to vector<1x4096xi32>
    %div3A_286 = arith.divsi %sub3A_283, %div3A_285 : vector<1x4096xi32>
    %sign3A_287 = arith.constant 0 : i32
    %sign3A_288 = vector.broadcast %sign3A_287 : i32 to vector<1x4096xi32>
    %sign3A_289 = arith.cmpi sgt, %sub3A_283, %sign3A_288 : vector<1x4096xi32>
    %sign3A_290 = arith.extui %sign3A_289 : vector<1x4096xi1> to vector<1x4096xi32>
    %sign3A_291 = arith.constant 0 : i32
    %sign3A_292 = vector.broadcast %sign3A_291 : i32 to vector<1x4096xi32>
    %sign3A_293 = arith.cmpi slt, %sub3A_283, %sign3A_292 : vector<1x4096xi32>
    %sign3A_294 = arith.extui %sign3A_293 : vector<1x4096xi1> to vector<1x4096xi32>
    %sign3A_295 = arith.subi %sign3A_290, %sign3A_294 : vector<1x4096xi32>
    %sign3A_296 = arith.constant 0 : i32
    %sign3A_297 = arith.cmpi sgt, %jit3A_284, %sign3A_296 : i32
    %sign3A_298 = arith.extui %sign3A_297 : i1 to i32
    %sign3A_299 = arith.constant 0 : i32
    %sign3A_300 = arith.cmpi slt, %jit3A_284, %sign3A_299 : i32
    %sign3A_301 = arith.extui %sign3A_300 : i1 to i32
    %sign3A_302 = arith.subi %sign3A_298, %sign3A_301 : i32
    %ne3A_303 = vector.broadcast %sign3A_302 : i32 to vector<1x4096xi32>
    %ne3A_304 = arith.cmpi ne, %sign3A_295, %ne3A_303 : vector<1x4096xi32>
    %rem3A_305 = vector.broadcast %jit3A_284 : i32 to vector<1x4096xi32>
    %rem3A_306 = arith.remsi %sub3A_283, %rem3A_305 : vector<1x4096xi32>
    %ne3A_307 = arith.constant 0 : i32
    %ne3A_308 = vector.broadcast %ne3A_307 : i32 to vector<1x4096xi32>
    %ne3A_309 = arith.cmpi ne, %rem3A_306, %ne3A_308 : vector<1x4096xi32>
    %and3A_310 = arith.andi %ne3A_304, %ne3A_309 : vector<1x4096xi1>
    %sub3A_311 = arith.constant 1 : i32
    %sub3A_312 = vector.broadcast %sub3A_311 : i32 to vector<1x4096xi32>
    %sub3A_313 = arith.subi %div3A_286, %sub3A_312 : vector<1x4096xi32>
    %select_n3A_314 = arith.select %and3A_310, %sub3A_313, %div3A_286 : vector<1x4096xi1>, vector<1x4096xi32>
    %mul3A_315 = arith.constant 52 : i32
    %mul3A_316 = vector.broadcast %mul3A_315 : i32 to vector<1x4096xi32>
    %mul3A_317 = arith.muli %select_n3A_314, %mul3A_316 : vector<1x4096xi32>
    %sub3A_318 = arith.subi %sub3A_283, %mul3A_317 : vector<1x4096xi32>
    %add3A_319 = arith.constant 1228 : i32
    %add3A_320 = vector.broadcast %add3A_319 : i32 to vector<1x4096xi32>
    %add3A_321 = arith.addi %add3A_320, %sub3A_318 : vector<1x4096xi32>
    %jit3A_322 = arith.constant 2 : i32
    %div3A_323 = arith.divsi %arg0, %jit3A_322 : i32
    %sign3A_324 = arith.constant 0 : i32
    %sign3A_325 = arith.cmpi sgt, %arg0, %sign3A_324 : i32
    %sign3A_326 = arith.extui %sign3A_325 : i1 to i32
    %sign3A_327 = arith.constant 0 : i32
    %sign3A_328 = arith.cmpi slt, %arg0, %sign3A_327 : i32
    %sign3A_329 = arith.extui %sign3A_328 : i1 to i32
    %sign3A_330 = arith.subi %sign3A_326, %sign3A_329 : i32
    %sign3A_331 = arith.constant 0 : i32
    %sign3A_332 = arith.cmpi sgt, %jit3A_322, %sign3A_331 : i32
    %sign3A_333 = arith.extui %sign3A_332 : i1 to i32
    %sign3A_334 = arith.constant 0 : i32
    %sign3A_335 = arith.cmpi slt, %jit3A_322, %sign3A_334 : i32
    %sign3A_336 = arith.extui %sign3A_335 : i1 to i32
    %sign3A_337 = arith.subi %sign3A_333, %sign3A_336 : i32
    %ne3A_338 = arith.cmpi ne, %sign3A_330, %sign3A_337 : i32
    %rem3A_339 = arith.remsi %arg0, %jit3A_322 : i32
    %ne3A_340 = arith.constant 0 : i32
    %ne3A_341 = arith.cmpi ne, %rem3A_339, %ne3A_340 : i32
    %and3A_342 = arith.andi %ne3A_338, %ne3A_341 : i1
    %sub3A_343 = arith.constant 1 : i32
    %sub3A_344 = arith.subi %div3A_323, %sub3A_343 : i32
    %select_n3A_345 = arith.select %and3A_342, %sub3A_344, %div3A_323 : i32
    %mul3A_346 = arith.constant 2 : i32
    %mul3A_347 = arith.muli %select_n3A_345, %mul3A_346 : i32
    %sub3A_348 = arith.subi %arg0, %mul3A_347 : i32
    %select_n3A_349 = arith.select %or3A_176, %convert_element_type3A_279, %add3A_321 : vector<1x4096xi1>, vector<1x4096xi32>
    %mul3A_350 = arith.constant 1280 : i32
    %mul3A_351 = arith.muli %sub3A_348, %mul3A_350 : i32
    %add3A_352 = vector.broadcast %mul3A_351 : i32 to vector<1x4096xi32>
    %add3A_353 = arith.addi %select_n3A_349, %add3A_352 : vector<1x4096xi32>
    %swap3A = arith.constant 0 : index
    %swap3A_354 = arith.constant 0 : index
    %swap3A_355 = arith.constant 0 : index
    %swap3A_356 = vector.load %arg4[%swap3A, %swap3A_354, %swap3A_355] : memref<1x1x4096xi32, #tpu.memory_space<vmem>>, vector<1x1x4096xi32>
    %swap3A_357 = vector.shape_cast %swap3A_356 : vector<1x1x4096xi32> to vector<1x4096xi32>
    %swap3A_358 = vector.shape_cast %add3A_353 : vector<1x4096xi32> to vector<1x1x4096xi32>
    tpu.vector_store %arg4[%swap3A, %swap3A_354, %swap3A_355], %swap3A_358 {strides = array<i32>} : memref<1x1x4096xi32, #tpu.memory_space<vmem>>, vector<1x1x4096xi32>,
    return
  }
  func.func @transform_0(%arg0: i32, %arg1: memref<8x128xi32, #tpu.memory_space<smem>>) -> (i32, i32, i32) {
    %get3A = arith.index_cast %arg0 : i32 to index
    %get3A_0 = arith.constant 0 : index
    %get3A_1 = memref.load %arg1[%get3A, %get3A_0] : memref<8x128xi32, #tpu.memory_space<smem>>
    %jit3A = arith.constant 8 : i32
    %div3A = arith.divsi %get3A_1, %jit3A : i32
    %sign3A = arith.constant 0 : i32
    %sign3A_2 = arith.cmpi sgt, %get3A_1, %sign3A : i32
    %sign3A_3 = arith.extui %sign3A_2 : i1 to i32
    %sign3A_4 = arith.constant 0 : i32
    %sign3A_5 = arith.cmpi slt, %get3A_1, %sign3A_4 : i32
    %sign3A_6 = arith.extui %sign3A_5 : i1 to i32
    %sign3A_7 = arith.subi %sign3A_3, %sign3A_6 : i32
    %sign3A_8 = arith.constant 0 : i32
    %sign3A_9 = arith.cmpi sgt, %jit3A, %sign3A_8 : i32
    %sign3A_10 = arith.extui %sign3A_9 : i1 to i32
    %sign3A_11 = arith.constant 0 : i32
    %sign3A_12 = arith.cmpi slt, %jit3A, %sign3A_11 : i32
    %sign3A_13 = arith.extui %sign3A_12 : i1 to i32
    %sign3A_14 = arith.subi %sign3A_10, %sign3A_13 : i32
    %ne3A = arith.cmpi ne, %sign3A_7, %sign3A_14 : i32
    %rem3A = arith.remsi %get3A_1, %jit3A : i32
    %ne3A_15 = arith.constant 0 : i32
    %ne3A_16 = arith.cmpi ne, %rem3A, %ne3A_15 : i32
    %and3A = arith.andi %ne3A, %ne3A_16 : i1
    %sub3A = arith.constant 1 : i32
    %sub3A_17 = arith.subi %div3A, %sub3A : i32
    %select_n3A = arith.select %and3A, %sub3A_17, %div3A : i32
    %c0_i32 = arith.constant 0 : i32
    %c0_i32_18 = arith.constant 0 : i32
    return %arg0, %select_n3A, %c0_i32 : i32, i32, i32
  }
  func.func @transform_1(%arg0: i32, %arg1: memref<8x128xi32, #tpu.memory_space<smem>>) -> (i32, i32, i32) {
    %c0_i32 = arith.constant 0 : i32
    %c0_i32_0 = arith.constant 0 : i32
    %c0_i32_1 = arith.constant 0 : i32
    return %arg0, %c0_i32, %c0_i32_0 : i32, i32, i32
  }
  func.func @transform_2(%arg0: i32, %arg1: memref<8x128xi32, #tpu.memory_space<smem>>) -> (i32, i32, i32) {
    %c0_i32 = arith.constant 0 : i32
    %c0_i32_0 = arith.constant 0 : i32
    %c0_i32_1 = arith.constant 0 : i32
    return %arg0, %c0_i32, %c0_i32_0 : i32, i32, i32
  }
}

module attributes {stable_mosaic.version = 14 : i64} {
  func.func @_mlp_kernel(%arg0: i32, %arg1: memref<8x128xi32, #tpu.memory_space<smem>>, %arg2: memref<1x1280x512xf32, #tpu.memory_space<vmem>>, %arg3: memref<1x8x512xf32, #tpu.memory_space<vmem>>, %arg4: memref<512x512xf32, #tpu.memory_space<vmem>>, %arg5: memref<512xf32, #tpu.memory_space<vmem>>, %arg6: memref<512xf32, #tpu.memory_space<vmem>>, %arg7: memref<512xf32, #tpu.memory_space<vmem>>, %arg8: memref<512x1024xf32, #tpu.memory_space<vmem>>, %arg9: memref<1024xf32, #tpu.memory_space<vmem>>, %arg10: memref<512x1024xf32, #tpu.memory_space<vmem>>, %arg11: memref<1024xf32, #tpu.memory_space<vmem>>, %arg12: memref<4x1024xf32, #tpu.memory_space<vmem>>, %arg13: memref<4x1024xf32, #tpu.memory_space<vmem>>, %arg14: memref<4x1280x512xf32, #tpu.memory_space<vmem>>, %arg15: memref<8x512xf32, #tpu.memory_space<vmem>>) attributes {dimension_semantics = [#tpu.dimension_semantics<arbitrary>], iteration_bounds = array<i64: 4>, scalar_prefetch = 1 : i64, scratch_operands = 2 : i64, tpu.core_type = #tpu.core_type<tc>, window_params = [{transform_indices = @transform_0, window_bounds = array<i64: 1, 1280, 512>}, {transform_indices = @transform_1, window_bounds = array<i64: 1, 8, 512>}, {pipeline_mode = #tpu.pipeline_mode<synchronous>, transform_indices = @transform_2, window_bounds = array<i64: 512, 512>}, {pipeline_mode = #tpu.pipeline_mode<synchronous>, transform_indices = @transform_3, window_bounds = array<i64: 512>}, {pipeline_mode = #tpu.pipeline_mode<synchronous>, transform_indices = @transform_4, window_bounds = array<i64: 512>}, {pipeline_mode = #tpu.pipeline_mode<synchronous>, transform_indices = @transform_5, window_bounds = array<i64: 512>}, {pipeline_mode = #tpu.pipeline_mode<synchronous>, transform_indices = @transform_6, window_bounds = array<i64: 512, 1024>}, {pipeline_mode = #tpu.pipeline_mode<synchronous>, transform_indices = @transform_7, window_bounds = array<i64: 1024>}, {pipeline_mode = #tpu.pipeline_mode<synchronous>, transform_indices = @transform_8, window_bounds = array<i64: 512, 1024>}, {pipeline_mode = #tpu.pipeline_mode<synchronous>, transform_indices = @transform_9, window_bounds = array<i64: 1024>}, {pipeline_mode = #tpu.pipeline_mode<synchronous>, transform_indices = @transform_10, window_bounds = array<i64: 4, 1024>}, {pipeline_mode = #tpu.pipeline_mode<synchronous>, transform_indices = @transform_11, window_bounds = array<i64: 4, 1024>}]} {
    %get3A = arith.index_cast %arg0 : i32 to index
    %get3A_0 = arith.constant 0 : index
    %get3A_1 = memref.load %arg1[%get3A, %get3A_0] : memref<8x128xi32, #tpu.memory_space<smem>>
    %jit3A = arith.constant 8 : i32
    %div3A = arith.divsi %get3A_1, %jit3A : i32
    %sign3A = arith.constant 0 : i32
    %sign3A_2 = arith.cmpi sgt, %get3A_1, %sign3A : i32
    %sign3A_3 = arith.extui %sign3A_2 : i1 to i32
    %sign3A_4 = arith.constant 0 : i32
    %sign3A_5 = arith.cmpi slt, %get3A_1, %sign3A_4 : i32
    %sign3A_6 = arith.extui %sign3A_5 : i1 to i32
    %sign3A_7 = arith.subi %sign3A_3, %sign3A_6 : i32
    %sign3A_8 = arith.constant 0 : i32
    %sign3A_9 = arith.cmpi sgt, %jit3A, %sign3A_8 : i32
    %sign3A_10 = arith.extui %sign3A_9 : i1 to i32
    %sign3A_11 = arith.constant 0 : i32
    %sign3A_12 = arith.cmpi slt, %jit3A, %sign3A_11 : i32
    %sign3A_13 = arith.extui %sign3A_12 : i1 to i32
    %sign3A_14 = arith.subi %sign3A_10, %sign3A_13 : i32
    %ne3A = arith.cmpi ne, %sign3A_7, %sign3A_14 : i32
    %rem3A = arith.remsi %get3A_1, %jit3A : i32
    %ne3A_15 = arith.constant 0 : i32
    %ne3A_16 = arith.cmpi ne, %rem3A, %ne3A_15 : i32
    %and3A = arith.andi %ne3A, %ne3A_16 : i1
    %sub3A = arith.constant 1 : i32
    %sub3A_17 = arith.subi %div3A, %sub3A : i32
    %select_n3A = arith.select %and3A, %sub3A_17, %div3A : i32
    %mul3A = arith.constant 8 : i32
    %mul3A_18 = arith.muli %select_n3A, %mul3A : i32
    %sub3A_19 = arith.subi %get3A_1, %mul3A_18 : i32
    %iota3A = tpu.iota {dimensions = array<i32: 0>} : vector<8x1xi32>
    %eq3A = vector.broadcast %sub3A_19 : i32 to vector<8x1xi32>
    %eq3A_20 = arith.cmpi eq, %iota3A, %eq3A : vector<8x1xi32>
    %convert_element_type3A = arith.extui %eq3A_20 : vector<8x1xi1> to vector<8x1xi32>
    %convert_element_type3A_21 = arith.sitofp %convert_element_type3A : vector<8x1xi32> to vector<8x1xf32>
    %get3A_22 = arith.constant 0 : index
    %get3A_23 = arith.constant 0 : index
    %get3A_24 = arith.constant 0 : index
    %get3A_25 = vector.load %arg3[%get3A_22, %get3A_23, %get3A_24] : memref<1x8x512xf32, #tpu.memory_space<vmem>>, vector<1x8x512xf32>
    %get3A_26 = vector.shape_cast %get3A_25 : vector<1x8x512xf32> to vector<8x512xf32>
    %mul3A_27 = vector.broadcast %convert_element_type3A_21 : vector<8x1xf32> to vector<8x512xf32>
    %mul3A_28 = arith.mulf %get3A_26, %mul3A_27 : vector<8x512xf32>
    %reduce_sum3A = arith.constant dense<0.000000e+00> : vector<512xf32>
    %reduce_sum3A_29 = vector.multi_reduction <add>, %mul3A_28, %reduce_sum3A [0] : vector<8x512xf32> to vector<512xf32>
    %broadcast_in_dim3A = vector.shape_cast %reduce_sum3A_29 : vector<512xf32> to vector<1x512xf32>
    %get3A_30 = arith.constant 0 : index
    %get3A_31 = arith.constant 0 : index
    %get3A_32 = vector.load %arg10[%get3A_30, %get3A_31] : memref<512x1024xf32, #tpu.memory_space<vmem>>, vector<512x1024xf32>
    %dot_general3A = arith.constant dense<0.000000e+00> : vector<1x1024xf32>
    %dot_general3A_33 = tpu.matmul %broadcast_in_dim3A, %get3A_32, %dot_general3A {dimension_numbers = #tpu.dot_dimension_numbers<[1], [0], [0], [1], [0, 0, 1, 1], [], []>, transpose_lhs_hint = false} : vector<1x512xf32>, vector<512x1024xf32>, vector<1x1024xf32> -> vector<1x1024xf32>
    %get3A_34 = arith.constant 0 : index
    %get3A_35 = vector.load %arg11[%get3A_34] : memref<1024xf32, #tpu.memory_space<vmem>>, vector<1024xf32>
    %reshape3A = vector.shape_cast %get3A_35 : vector<1024xf32> to vector<1x1024xf32>
    %add3A = arith.addf %dot_general3A_33, %reshape3A : vector<1x1024xf32>
    %eq3A_36 = arith.constant 0 : i32
    %eq3A_37 = arith.cmpi eq, %arg0, %eq3A_36 : i32
    %convert_element_type3A_38 = arith.extui %eq3A_37 : i1 to i32
    %cond3A = arith.constant 0 : i32
    %cond3A_39 = arith.cmpi ne, %convert_element_type3A_38, %cond3A : i32
    scf.if %cond3A_39 {
      %swap3A_326 = arith.constant 0 : index
      %swap3A_327 = arith.constant 0 : index
      %swap3A_328 = vector.load %arg12[%swap3A_326, %swap3A_327] : memref<4x1024xf32, #tpu.memory_space<vmem>>, vector<1x1024xf32>
      tpu.vector_store %arg12[%swap3A_326, %swap3A_327], %add3A {strides = array<i32>} : memref<4x1024xf32, #tpu.memory_space<vmem>>, vector<1x1024xf32>,
    } else {
    }
    %eq3A_40 = arith.constant 1 : i32
    %eq3A_41 = arith.cmpi eq, %arg0, %eq3A_40 : i32
    %convert_element_type3A_42 = arith.extui %eq3A_41 : i1 to i32
    %cond3A_43 = arith.constant 0 : i32
    %cond3A_44 = arith.cmpi ne, %convert_element_type3A_42, %cond3A_43 : i32
    scf.if %cond3A_44 {
      %swap3A_326 = arith.constant 1 : index
      %swap3A_327 = arith.constant 0 : index
      %swap3A_328 = vector.load %arg12[%swap3A_326, %swap3A_327] : memref<4x1024xf32, #tpu.memory_space<vmem>>, vector<1x1024xf32>
      tpu.vector_store %arg12[%swap3A_326, %swap3A_327], %add3A {strides = array<i32>} : memref<4x1024xf32, #tpu.memory_space<vmem>>, vector<1x1024xf32>,
    } else {
    }
    %eq3A_45 = arith.constant 2 : i32
    %eq3A_46 = arith.cmpi eq, %arg0, %eq3A_45 : i32
    %convert_element_type3A_47 = arith.extui %eq3A_46 : i1 to i32
    %cond3A_48 = arith.constant 0 : i32
    %cond3A_49 = arith.cmpi ne, %convert_element_type3A_47, %cond3A_48 : i32
    scf.if %cond3A_49 {
      %swap3A_326 = arith.constant 2 : index
      %swap3A_327 = arith.constant 0 : index
      %swap3A_328 = vector.load %arg12[%swap3A_326, %swap3A_327] : memref<4x1024xf32, #tpu.memory_space<vmem>>, vector<1x1024xf32>
      tpu.vector_store %arg12[%swap3A_326, %swap3A_327], %add3A {strides = array<i32>} : memref<4x1024xf32, #tpu.memory_space<vmem>>, vector<1x1024xf32>,
    } else {
    }
    %eq3A_50 = arith.constant 3 : i32
    %eq3A_51 = arith.cmpi eq, %arg0, %eq3A_50 : i32
    %convert_element_type3A_52 = arith.extui %eq3A_51 : i1 to i32
    %cond3A_53 = arith.constant 0 : i32
    %cond3A_54 = arith.cmpi ne, %convert_element_type3A_52, %cond3A_53 : i32
    scf.if %cond3A_54 {
      %swap3A_326 = arith.constant 3 : index
      %swap3A_327 = arith.constant 0 : index
      %swap3A_328 = vector.load %arg12[%swap3A_326, %swap3A_327] : memref<4x1024xf32, #tpu.memory_space<vmem>>, vector<1x1024xf32>
      tpu.vector_store %arg12[%swap3A_326, %swap3A_327], %add3A {strides = array<i32>} : memref<4x1024xf32, #tpu.memory_space<vmem>>, vector<1x1024xf32>,
    } else {
    }
    %get3A_55 = arith.constant 0 : index
    %get3A_56 = arith.constant 0 : index
    %get3A_57 = vector.load %arg4[%get3A_55, %get3A_56] : memref<512x512xf32, #tpu.memory_space<vmem>>, vector<512x512xf32>
    %get3A_58 = arith.constant 0 : index
    %get3A_59 = vector.load %arg5[%get3A_58] : memref<512xf32, #tpu.memory_space<vmem>>, vector<512xf32>
    %reshape3A_60 = vector.shape_cast %get3A_59 : vector<512xf32> to vector<1x512xf32>
    %broadcast_in_dim3A_61 = arith.constant 0.000000e+00 : f32
    %broadcast_in_dim3A_62 = vector.broadcast %broadcast_in_dim3A_61 : f32 to vector<1x512xf32>
    %broadcast_in_dim3A_63 = arith.constant 0.000000e+00 : f32
    %broadcast_in_dim3A_64 = vector.broadcast %broadcast_in_dim3A_63 : f32 to vector<1x512xf32>
    %get3A_65 = arith.constant 0 : index
    %get3A_66 = arith.constant 0 : index
    %get3A_67 = arith.constant 0 : index
    %get3A_68 = vector.load %arg2[%get3A_65, %get3A_66, %get3A_67] : memref<1x1280x512xf32, #tpu.memory_space<vmem>>, vector<1x256x512xf32>
    %get3A_69 = vector.shape_cast %get3A_68 : vector<1x256x512xf32> to vector<256x512xf32>
    %mul3A_70 = arith.mulf %get3A_69, %get3A_69 : vector<256x512xf32>
    %reduce_sum3A_71 = arith.constant dense<0.000000e+00> : vector<256xf32>
    %reduce_sum3A_72 = vector.multi_reduction <add>, %mul3A_70, %reduce_sum3A_71 [1] : vector<256x512xf32> to vector<256xf32>
    %broadcast_in_dim3A_73 = vector.shape_cast %reduce_sum3A_72 : vector<256xf32> to vector<256x1xf32>
    %sqrt3A = math.sqrt %broadcast_in_dim3A_73 : vector<256x1xf32>
    %add3A_74 = arith.constant 9.99999993E-9 : f32
    %add3A_75 = vector.broadcast %add3A_74 : f32 to vector<256x1xf32>
    %add3A_76 = arith.addf %sqrt3A, %add3A_75 : vector<256x1xf32>
    %div3A_77 = arith.constant 1.000000e+00 : f32
    %div3A_78 = vector.broadcast %div3A_77 : f32 to vector<256x1xf32>
    %div3A_79 = arith.divf %div3A_78, %add3A_76 : vector<256x1xf32>
    %mul3A_80 = vector.broadcast %div3A_79 : vector<256x1xf32> to vector<256x512xf32>
    %mul3A_81 = arith.mulf %get3A_69, %mul3A_80 : vector<256x512xf32>
    %dot_general3A_82 = arith.constant dense<0.000000e+00> : vector<256x512xf32>
    %dot_general3A_83 = tpu.matmul %mul3A_81, %get3A_57, %dot_general3A_82 {dimension_numbers = #tpu.dot_dimension_numbers<[1], [0], [0], [1], [0, 0, 1, 1], [], []>, transpose_lhs_hint = false} : vector<256x512xf32>, vector<512x512xf32>, vector<256x512xf32> -> vector<256x512xf32>
    %add3A_84 = vector.broadcast %reshape3A_60 : vector<1x512xf32> to vector<256x512xf32>
    %add3A_85 = arith.addf %dot_general3A_83, %add3A_84 : vector<256x512xf32>
    %swap3A = arith.index_cast %arg0 : i32 to index
    %swap3A_86 = arith.constant 0 : index
    %swap3A_87 = arith.constant 0 : index
    %swap3A_88 = vector.load %arg14[%swap3A, %swap3A_86, %swap3A_87] : memref<4x1280x512xf32, #tpu.memory_space<vmem>>, vector<1x256x512xf32>
    %swap3A_89 = vector.shape_cast %swap3A_88 : vector<1x256x512xf32> to vector<256x512xf32>
    %swap3A_90 = vector.shape_cast %add3A_85 : vector<256x512xf32> to vector<1x256x512xf32>
    tpu.vector_store %arg14[%swap3A, %swap3A_86, %swap3A_87], %swap3A_90 {strides = array<i32>} : memref<4x1280x512xf32, #tpu.memory_space<vmem>>, vector<1x256x512xf32>,
    %iota3A_91 = tpu.iota {dimensions = array<i32: 0>} : vector<256x1xi32>
    %add3A_92 = arith.constant 0 : i32
    %add3A_93 = vector.broadcast %add3A_92 : i32 to vector<256x1xi32>
    %add3A_94 = arith.addi %add3A_93, %iota3A_91 : vector<256x1xi32>
    %lt3A = arith.constant 1228 : i32
    %lt3A_95 = vector.broadcast %lt3A : i32 to vector<256x1xi32>
    %lt3A_96 = arith.cmpi slt, %add3A_94, %lt3A_95 : vector<256x1xi32>
    %convert_element_type3A_97 = arith.extui %lt3A_96 : vector<256x1xi1> to vector<256x1xi32>
    %convert_element_type3A_98 = arith.sitofp %convert_element_type3A_97 : vector<256x1xi32> to vector<256x1xf32>
    %mul3A_99 = vector.broadcast %convert_element_type3A_98 : vector<256x1xf32> to vector<256x512xf32>
    %mul3A_100 = arith.mulf %add3A_85, %mul3A_99 : vector<256x512xf32>
    %reduce_sum3A_101 = arith.constant dense<0.000000e+00> : vector<512xf32>
    %reduce_sum3A_102 = vector.multi_reduction <add>, %mul3A_100, %reduce_sum3A_101 [0] : vector<256x512xf32> to vector<512xf32>
    %broadcast_in_dim3A_103 = vector.shape_cast %reduce_sum3A_102 : vector<512xf32> to vector<1x512xf32>
    %add3A_104 = arith.addf %broadcast_in_dim3A_62, %broadcast_in_dim3A_103 : vector<1x512xf32>
    %mul3A_105 = arith.mulf %add3A_85, %add3A_85 : vector<256x512xf32>
    %mul3A_106 = vector.broadcast %convert_element_type3A_98 : vector<256x1xf32> to vector<256x512xf32>
    %mul3A_107 = arith.mulf %mul3A_105, %mul3A_106 : vector<256x512xf32>
    %reduce_sum3A_108 = arith.constant dense<0.000000e+00> : vector<512xf32>
    %reduce_sum3A_109 = vector.multi_reduction <add>, %mul3A_107, %reduce_sum3A_108 [0] : vector<256x512xf32> to vector<512xf32>
    %broadcast_in_dim3A_110 = vector.shape_cast %reduce_sum3A_109 : vector<512xf32> to vector<1x512xf32>
    %add3A_111 = arith.addf %broadcast_in_dim3A_64, %broadcast_in_dim3A_110 : vector<1x512xf32>
    %get3A_112 = arith.constant 0 : index
    %get3A_113 = arith.constant 256 : index
    %get3A_114 = arith.constant 0 : index
    %get3A_115 = vector.load %arg2[%get3A_112, %get3A_113, %get3A_114] : memref<1x1280x512xf32, #tpu.memory_space<vmem>>, vector<1x256x512xf32>
    %get3A_116 = vector.shape_cast %get3A_115 : vector<1x256x512xf32> to vector<256x512xf32>
    %mul3A_117 = arith.mulf %get3A_116, %get3A_116 : vector<256x512xf32>
    %reduce_sum3A_118 = arith.constant dense<0.000000e+00> : vector<256xf32>
    %reduce_sum3A_119 = vector.multi_reduction <add>, %mul3A_117, %reduce_sum3A_118 [1] : vector<256x512xf32> to vector<256xf32>
    %broadcast_in_dim3A_120 = vector.shape_cast %reduce_sum3A_119 : vector<256xf32> to vector<256x1xf32>
    %sqrt3A_121 = math.sqrt %broadcast_in_dim3A_120 : vector<256x1xf32>
    %add3A_122 = arith.constant 9.99999993E-9 : f32
    %add3A_123 = vector.broadcast %add3A_122 : f32 to vector<256x1xf32>
    %add3A_124 = arith.addf %sqrt3A_121, %add3A_123 : vector<256x1xf32>
    %div3A_125 = arith.constant 1.000000e+00 : f32
    %div3A_126 = vector.broadcast %div3A_125 : f32 to vector<256x1xf32>
    %div3A_127 = arith.divf %div3A_126, %add3A_124 : vector<256x1xf32>
    %mul3A_128 = vector.broadcast %div3A_127 : vector<256x1xf32> to vector<256x512xf32>
    %mul3A_129 = arith.mulf %get3A_116, %mul3A_128 : vector<256x512xf32>
    %dot_general3A_130 = arith.constant dense<0.000000e+00> : vector<256x512xf32>
    %dot_general3A_131 = tpu.matmul %mul3A_129, %get3A_57, %dot_general3A_130 {dimension_numbers = #tpu.dot_dimension_numbers<[1], [0], [0], [1], [0, 0, 1, 1], [], []>, transpose_lhs_hint = false} : vector<256x512xf32>, vector<512x512xf32>, vector<256x512xf32> -> vector<256x512xf32>
    %add3A_132 = vector.broadcast %reshape3A_60 : vector<1x512xf32> to vector<256x512xf32>
    %add3A_133 = arith.addf %dot_general3A_131, %add3A_132 : vector<256x512xf32>
    %swap3A_134 = arith.index_cast %arg0 : i32 to index
    %swap3A_135 = arith.constant 256 : index
    %swap3A_136 = arith.constant 0 : index
    %swap3A_137 = vector.load %arg14[%swap3A_134, %swap3A_135, %swap3A_136] : memref<4x1280x512xf32, #tpu.memory_space<vmem>>, vector<1x256x512xf32>
    %swap3A_138 = vector.shape_cast %swap3A_137 : vector<1x256x512xf32> to vector<256x512xf32>
    %swap3A_139 = vector.shape_cast %add3A_133 : vector<256x512xf32> to vector<1x256x512xf32>
    tpu.vector_store %arg14[%swap3A_134, %swap3A_135, %swap3A_136], %swap3A_139 {strides = array<i32>} : memref<4x1280x512xf32, #tpu.memory_space<vmem>>, vector<1x256x512xf32>,
    %iota3A_140 = tpu.iota {dimensions = array<i32: 0>} : vector<256x1xi32>
    %add3A_141 = arith.constant 256 : i32
    %add3A_142 = vector.broadcast %add3A_141 : i32 to vector<256x1xi32>
    %add3A_143 = arith.addi %add3A_142, %iota3A_140 : vector<256x1xi32>
    %lt3A_144 = arith.constant 1228 : i32
    %lt3A_145 = vector.broadcast %lt3A_144 : i32 to vector<256x1xi32>
    %lt3A_146 = arith.cmpi slt, %add3A_143, %lt3A_145 : vector<256x1xi32>
    %convert_element_type3A_147 = arith.extui %lt3A_146 : vector<256x1xi1> to vector<256x1xi32>
    %convert_element_type3A_148 = arith.sitofp %convert_element_type3A_147 : vector<256x1xi32> to vector<256x1xf32>
    %mul3A_149 = vector.broadcast %convert_element_type3A_148 : vector<256x1xf32> to vector<256x512xf32>
    %mul3A_150 = arith.mulf %add3A_133, %mul3A_149 : vector<256x512xf32>
    %reduce_sum3A_151 = arith.constant dense<0.000000e+00> : vector<512xf32>
    %reduce_sum3A_152 = vector.multi_reduction <add>, %mul3A_150, %reduce_sum3A_151 [0] : vector<256x512xf32> to vector<512xf32>
    %broadcast_in_dim3A_153 = vector.shape_cast %reduce_sum3A_152 : vector<512xf32> to vector<1x512xf32>
    %add3A_154 = arith.addf %add3A_104, %broadcast_in_dim3A_153 : vector<1x512xf32>
    %mul3A_155 = arith.mulf %add3A_133, %add3A_133 : vector<256x512xf32>
    %mul3A_156 = vector.broadcast %convert_element_type3A_148 : vector<256x1xf32> to vector<256x512xf32>
    %mul3A_157 = arith.mulf %mul3A_155, %mul3A_156 : vector<256x512xf32>
    %reduce_sum3A_158 = arith.constant dense<0.000000e+00> : vector<512xf32>
    %reduce_sum3A_159 = vector.multi_reduction <add>, %mul3A_157, %reduce_sum3A_158 [0] : vector<256x512xf32> to vector<512xf32>
    %broadcast_in_dim3A_160 = vector.shape_cast %reduce_sum3A_159 : vector<512xf32> to vector<1x512xf32>
    %add3A_161 = arith.addf %add3A_111, %broadcast_in_dim3A_160 : vector<1x512xf32>
    %get3A_162 = arith.constant 0 : index
    %get3A_163 = arith.constant 512 : index
    %get3A_164 = arith.constant 0 : index
    %get3A_165 = vector.load %arg2[%get3A_162, %get3A_163, %get3A_164] : memref<1x1280x512xf32, #tpu.memory_space<vmem>>, vector<1x256x512xf32>
    %get3A_166 = vector.shape_cast %get3A_165 : vector<1x256x512xf32> to vector<256x512xf32>
    %mul3A_167 = arith.mulf %get3A_166, %get3A_166 : vector<256x512xf32>
    %reduce_sum3A_168 = arith.constant dense<0.000000e+00> : vector<256xf32>
    %reduce_sum3A_169 = vector.multi_reduction <add>, %mul3A_167, %reduce_sum3A_168 [1] : vector<256x512xf32> to vector<256xf32>
    %broadcast_in_dim3A_170 = vector.shape_cast %reduce_sum3A_169 : vector<256xf32> to vector<256x1xf32>
    %sqrt3A_171 = math.sqrt %broadcast_in_dim3A_170 : vector<256x1xf32>
    %add3A_172 = arith.constant 9.99999993E-9 : f32
    %add3A_173 = vector.broadcast %add3A_172 : f32 to vector<256x1xf32>
    %add3A_174 = arith.addf %sqrt3A_171, %add3A_173 : vector<256x1xf32>
    %div3A_175 = arith.constant 1.000000e+00 : f32
    %div3A_176 = vector.broadcast %div3A_175 : f32 to vector<256x1xf32>
    %div3A_177 = arith.divf %div3A_176, %add3A_174 : vector<256x1xf32>
    %mul3A_178 = vector.broadcast %div3A_177 : vector<256x1xf32> to vector<256x512xf32>
    %mul3A_179 = arith.mulf %get3A_166, %mul3A_178 : vector<256x512xf32>
    %dot_general3A_180 = arith.constant dense<0.000000e+00> : vector<256x512xf32>
    %dot_general3A_181 = tpu.matmul %mul3A_179, %get3A_57, %dot_general3A_180 {dimension_numbers = #tpu.dot_dimension_numbers<[1], [0], [0], [1], [0, 0, 1, 1], [], []>, transpose_lhs_hint = false} : vector<256x512xf32>, vector<512x512xf32>, vector<256x512xf32> -> vector<256x512xf32>
    %add3A_182 = vector.broadcast %reshape3A_60 : vector<1x512xf32> to vector<256x512xf32>
    %add3A_183 = arith.addf %dot_general3A_181, %add3A_182 : vector<256x512xf32>
    %swap3A_184 = arith.index_cast %arg0 : i32 to index
    %swap3A_185 = arith.constant 512 : index
    %swap3A_186 = arith.constant 0 : index
    %swap3A_187 = vector.load %arg14[%swap3A_184, %swap3A_185, %swap3A_186] : memref<4x1280x512xf32, #tpu.memory_space<vmem>>, vector<1x256x512xf32>
    %swap3A_188 = vector.shape_cast %swap3A_187 : vector<1x256x512xf32> to vector<256x512xf32>
    %swap3A_189 = vector.shape_cast %add3A_183 : vector<256x512xf32> to vector<1x256x512xf32>
    tpu.vector_store %arg14[%swap3A_184, %swap3A_185, %swap3A_186], %swap3A_189 {strides = array<i32>} : memref<4x1280x512xf32, #tpu.memory_space<vmem>>, vector<1x256x512xf32>,
    %iota3A_190 = tpu.iota {dimensions = array<i32: 0>} : vector<256x1xi32>
    %add3A_191 = arith.constant 512 : i32
    %add3A_192 = vector.broadcast %add3A_191 : i32 to vector<256x1xi32>
    %add3A_193 = arith.addi %add3A_192, %iota3A_190 : vector<256x1xi32>
    %lt3A_194 = arith.constant 1228 : i32
    %lt3A_195 = vector.broadcast %lt3A_194 : i32 to vector<256x1xi32>
    %lt3A_196 = arith.cmpi slt, %add3A_193, %lt3A_195 : vector<256x1xi32>
    %convert_element_type3A_197 = arith.extui %lt3A_196 : vector<256x1xi1> to vector<256x1xi32>
    %convert_element_type3A_198 = arith.sitofp %convert_element_type3A_197 : vector<256x1xi32> to vector<256x1xf32>
    %mul3A_199 = vector.broadcast %convert_element_type3A_198 : vector<256x1xf32> to vector<256x512xf32>
    %mul3A_200 = arith.mulf %add3A_183, %mul3A_199 : vector<256x512xf32>
    %reduce_sum3A_201 = arith.constant dense<0.000000e+00> : vector<512xf32>
    %reduce_sum3A_202 = vector.multi_reduction <add>, %mul3A_200, %reduce_sum3A_201 [0] : vector<256x512xf32> to vector<512xf32>
    %broadcast_in_dim3A_203 = vector.shape_cast %reduce_sum3A_202 : vector<512xf32> to vector<1x512xf32>
    %add3A_204 = arith.addf %add3A_154, %broadcast_in_dim3A_203 : vector<1x512xf32>
    %mul3A_205 = arith.mulf %add3A_183, %add3A_183 : vector<256x512xf32>
    %mul3A_206 = vector.broadcast %convert_element_type3A_198 : vector<256x1xf32> to vector<256x512xf32>
    %mul3A_207 = arith.mulf %mul3A_205, %mul3A_206 : vector<256x512xf32>
    %reduce_sum3A_208 = arith.constant dense<0.000000e+00> : vector<512xf32>
    %reduce_sum3A_209 = vector.multi_reduction <add>, %mul3A_207, %reduce_sum3A_208 [0] : vector<256x512xf32> to vector<512xf32>
    %broadcast_in_dim3A_210 = vector.shape_cast %reduce_sum3A_209 : vector<512xf32> to vector<1x512xf32>
    %add3A_211 = arith.addf %add3A_161, %broadcast_in_dim3A_210 : vector<1x512xf32>
    %get3A_212 = arith.constant 0 : index
    %get3A_213 = arith.constant 768 : index
    %get3A_214 = arith.constant 0 : index
    %get3A_215 = vector.load %arg2[%get3A_212, %get3A_213, %get3A_214] : memref<1x1280x512xf32, #tpu.memory_space<vmem>>, vector<1x256x512xf32>
    %get3A_216 = vector.shape_cast %get3A_215 : vector<1x256x512xf32> to vector<256x512xf32>
    %mul3A_217 = arith.mulf %get3A_216, %get3A_216 : vector<256x512xf32>
    %reduce_sum3A_218 = arith.constant dense<0.000000e+00> : vector<256xf32>
    %reduce_sum3A_219 = vector.multi_reduction <add>, %mul3A_217, %reduce_sum3A_218 [1] : vector<256x512xf32> to vector<256xf32>
    %broadcast_in_dim3A_220 = vector.shape_cast %reduce_sum3A_219 : vector<256xf32> to vector<256x1xf32>
    %sqrt3A_221 = math.sqrt %broadcast_in_dim3A_220 : vector<256x1xf32>
    %add3A_222 = arith.constant 9.99999993E-9 : f32
    %add3A_223 = vector.broadcast %add3A_222 : f32 to vector<256x1xf32>
    %add3A_224 = arith.addf %sqrt3A_221, %add3A_223 : vector<256x1xf32>
    %div3A_225 = arith.constant 1.000000e+00 : f32
    %div3A_226 = vector.broadcast %div3A_225 : f32 to vector<256x1xf32>
    %div3A_227 = arith.divf %div3A_226, %add3A_224 : vector<256x1xf32>
    %mul3A_228 = vector.broadcast %div3A_227 : vector<256x1xf32> to vector<256x512xf32>
    %mul3A_229 = arith.mulf %get3A_216, %mul3A_228 : vector<256x512xf32>
    %dot_general3A_230 = arith.constant dense<0.000000e+00> : vector<256x512xf32>
    %dot_general3A_231 = tpu.matmul %mul3A_229, %get3A_57, %dot_general3A_230 {dimension_numbers = #tpu.dot_dimension_numbers<[1], [0], [0], [1], [0, 0, 1, 1], [], []>, transpose_lhs_hint = false} : vector<256x512xf32>, vector<512x512xf32>, vector<256x512xf32> -> vector<256x512xf32>
    %add3A_232 = vector.broadcast %reshape3A_60 : vector<1x512xf32> to vector<256x512xf32>
    %add3A_233 = arith.addf %dot_general3A_231, %add3A_232 : vector<256x512xf32>
    %swap3A_234 = arith.index_cast %arg0 : i32 to index
    %swap3A_235 = arith.constant 768 : index
    %swap3A_236 = arith.constant 0 : index
    %swap3A_237 = vector.load %arg14[%swap3A_234, %swap3A_235, %swap3A_236] : memref<4x1280x512xf32, #tpu.memory_space<vmem>>, vector<1x256x512xf32>
    %swap3A_238 = vector.shape_cast %swap3A_237 : vector<1x256x512xf32> to vector<256x512xf32>
    %swap3A_239 = vector.shape_cast %add3A_233 : vector<256x512xf32> to vector<1x256x512xf32>
    tpu.vector_store %arg14[%swap3A_234, %swap3A_235, %swap3A_236], %swap3A_239 {strides = array<i32>} : memref<4x1280x512xf32, #tpu.memory_space<vmem>>, vector<1x256x512xf32>,
    %iota3A_240 = tpu.iota {dimensions = array<i32: 0>} : vector<256x1xi32>
    %add3A_241 = arith.constant 768 : i32
    %add3A_242 = vector.broadcast %add3A_241 : i32 to vector<256x1xi32>
    %add3A_243 = arith.addi %add3A_242, %iota3A_240 : vector<256x1xi32>
    %lt3A_244 = arith.constant 1228 : i32
    %lt3A_245 = vector.broadcast %lt3A_244 : i32 to vector<256x1xi32>
    %lt3A_246 = arith.cmpi slt, %add3A_243, %lt3A_245 : vector<256x1xi32>
    %convert_element_type3A_247 = arith.extui %lt3A_246 : vector<256x1xi1> to vector<256x1xi32>
    %convert_element_type3A_248 = arith.sitofp %convert_element_type3A_247 : vector<256x1xi32> to vector<256x1xf32>
    %mul3A_249 = vector.broadcast %convert_element_type3A_248 : vector<256x1xf32> to vector<256x512xf32>
    %mul3A_250 = arith.mulf %add3A_233, %mul3A_249 : vector<256x512xf32>
    %reduce_sum3A_251 = arith.constant dense<0.000000e+00> : vector<512xf32>
    %reduce_sum3A_252 = vector.multi_reduction <add>, %mul3A_250, %reduce_sum3A_251 [0] : vector<256x512xf32> to vector<512xf32>
    %broadcast_in_dim3A_253 = vector.shape_cast %reduce_sum3A_252 : vector<512xf32> to vector<1x512xf32>
    %add3A_254 = arith.addf %add3A_204, %broadcast_in_dim3A_253 : vector<1x512xf32>
    %mul3A_255 = arith.mulf %add3A_233, %add3A_233 : vector<256x512xf32>
    %mul3A_256 = vector.broadcast %convert_element_type3A_248 : vector<256x1xf32> to vector<256x512xf32>
    %mul3A_257 = arith.mulf %mul3A_255, %mul3A_256 : vector<256x512xf32>
    %reduce_sum3A_258 = arith.constant dense<0.000000e+00> : vector<512xf32>
    %reduce_sum3A_259 = vector.multi_reduction <add>, %mul3A_257, %reduce_sum3A_258 [0] : vector<256x512xf32> to vector<512xf32>
    %broadcast_in_dim3A_260 = vector.shape_cast %reduce_sum3A_259 : vector<512xf32> to vector<1x512xf32>
    %add3A_261 = arith.addf %add3A_211, %broadcast_in_dim3A_260 : vector<1x512xf32>
    %get3A_262 = arith.constant 0 : index
    %get3A_263 = arith.constant 1024 : index
    %get3A_264 = arith.constant 0 : index
    %get3A_265 = vector.load %arg2[%get3A_262, %get3A_263, %get3A_264] : memref<1x1280x512xf32, #tpu.memory_space<vmem>>, vector<1x256x512xf32>
    %get3A_266 = vector.shape_cast %get3A_265 : vector<1x256x512xf32> to vector<256x512xf32>
    %mul3A_267 = arith.mulf %get3A_266, %get3A_266 : vector<256x512xf32>
    %reduce_sum3A_268 = arith.constant dense<0.000000e+00> : vector<256xf32>
    %reduce_sum3A_269 = vector.multi_reduction <add>, %mul3A_267, %reduce_sum3A_268 [1] : vector<256x512xf32> to vector<256xf32>
    %broadcast_in_dim3A_270 = vector.shape_cast %reduce_sum3A_269 : vector<256xf32> to vector<256x1xf32>
    %sqrt3A_271 = math.sqrt %broadcast_in_dim3A_270 : vector<256x1xf32>
    %add3A_272 = arith.constant 9.99999993E-9 : f32
    %add3A_273 = vector.broadcast %add3A_272 : f32 to vector<256x1xf32>
    %add3A_274 = arith.addf %sqrt3A_271, %add3A_273 : vector<256x1xf32>
    %div3A_275 = arith.constant 1.000000e+00 : f32
    %div3A_276 = vector.broadcast %div3A_275 : f32 to vector<256x1xf32>
    %div3A_277 = arith.divf %div3A_276, %add3A_274 : vector<256x1xf32>
    %mul3A_278 = vector.broadcast %div3A_277 : vector<256x1xf32> to vector<256x512xf32>
    %mul3A_279 = arith.mulf %get3A_266, %mul3A_278 : vector<256x512xf32>
    %dot_general3A_280 = arith.constant dense<0.000000e+00> : vector<256x512xf32>
    %dot_general3A_281 = tpu.matmul %mul3A_279, %get3A_57, %dot_general3A_280 {dimension_numbers = #tpu.dot_dimension_numbers<[1], [0], [0], [1], [0, 0, 1, 1], [], []>, transpose_lhs_hint = false} : vector<256x512xf32>, vector<512x512xf32>, vector<256x512xf32> -> vector<256x512xf32>
    %add3A_282 = vector.broadcast %reshape3A_60 : vector<1x512xf32> to vector<256x512xf32>
    %add3A_283 = arith.addf %dot_general3A_281, %add3A_282 : vector<256x512xf32>
    %swap3A_284 = arith.index_cast %arg0 : i32 to index
    %swap3A_285 = arith.constant 1024 : index
    %swap3A_286 = arith.constant 0 : index
    %swap3A_287 = vector.load %arg14[%swap3A_284, %swap3A_285, %swap3A_286] : memref<4x1280x512xf32, #tpu.memory_space<vmem>>, vector<1x256x512xf32>
    %swap3A_288 = vector.shape_cast %swap3A_287 : vector<1x256x512xf32> to vector<256x512xf32>
    %swap3A_289 = vector.shape_cast %add3A_283 : vector<256x512xf32> to vector<1x256x512xf32>
    tpu.vector_store %arg14[%swap3A_284, %swap3A_285, %swap3A_286], %swap3A_289 {strides = array<i32>} : memref<4x1280x512xf32, #tpu.memory_space<vmem>>, vector<1x256x512xf32>,
    %iota3A_290 = tpu.iota {dimensions = array<i32: 0>} : vector<256x1xi32>
    %add3A_291 = arith.constant 1024 : i32
    %add3A_292 = vector.broadcast %add3A_291 : i32 to vector<256x1xi32>
    %add3A_293 = arith.addi %add3A_292, %iota3A_290 : vector<256x1xi32>
    %lt3A_294 = arith.constant 1228 : i32
    %lt3A_295 = vector.broadcast %lt3A_294 : i32 to vector<256x1xi32>
    %lt3A_296 = arith.cmpi slt, %add3A_293, %lt3A_295 : vector<256x1xi32>
    %convert_element_type3A_297 = arith.extui %lt3A_296 : vector<256x1xi1> to vector<256x1xi32>
    %convert_element_type3A_298 = arith.sitofp %convert_element_type3A_297 : vector<256x1xi32> to vector<256x1xf32>
    %mul3A_299 = vector.broadcast %convert_element_type3A_298 : vector<256x1xf32> to vector<256x512xf32>
    %mul3A_300 = arith.mulf %add3A_283, %mul3A_299 : vector<256x512xf32>
    %reduce_sum3A_301 = arith.constant dense<0.000000e+00> : vector<512xf32>
    %reduce_sum3A_302 = vector.multi_reduction <add>, %mul3A_300, %reduce_sum3A_301 [0] : vector<256x512xf32> to vector<512xf32>
    %broadcast_in_dim3A_303 = vector.shape_cast %reduce_sum3A_302 : vector<512xf32> to vector<1x512xf32>
    %add3A_304 = arith.addf %add3A_254, %broadcast_in_dim3A_303 : vector<1x512xf32>
    %mul3A_305 = arith.mulf %add3A_283, %add3A_283 : vector<256x512xf32>
    %mul3A_306 = vector.broadcast %convert_element_type3A_298 : vector<256x1xf32> to vector<256x512xf32>
    %mul3A_307 = arith.mulf %mul3A_305, %mul3A_306 : vector<256x512xf32>
    %reduce_sum3A_308 = arith.constant dense<0.000000e+00> : vector<512xf32>
    %reduce_sum3A_309 = vector.multi_reduction <add>, %mul3A_307, %reduce_sum3A_308 [0] : vector<256x512xf32> to vector<512xf32>
    %broadcast_in_dim3A_310 = vector.shape_cast %reduce_sum3A_309 : vector<512xf32> to vector<1x512xf32>
    %add3A_311 = arith.addf %add3A_261, %broadcast_in_dim3A_310 : vector<1x512xf32>
    %eq3A_312 = arith.constant 0 : i32
    %eq3A_313 = arith.cmpi eq, %arg0, %eq3A_312 : i32
    %convert_element_type3A_314 = arith.extui %eq3A_313 : i1 to i32
    %cond3A_315 = arith.constant 0 : i32
    %cond3A_316 = arith.cmpi ne, %convert_element_type3A_314, %cond3A_315 : i32
    scf.if %cond3A_316 {
      %swap3A_326 = arith.constant 0 : index
      %swap3A_327 = arith.constant 0 : index
      %swap3A_328 = vector.load %arg15[%swap3A_326, %swap3A_327] : memref<8x512xf32, #tpu.memory_space<vmem>>, vector<1x512xf32>
      tpu.vector_store %arg15[%swap3A_326, %swap3A_327], %add3A_304 {strides = array<i32>} : memref<8x512xf32, #tpu.memory_space<vmem>>, vector<1x512xf32>,
      %swap3A_329 = arith.constant 1 : index
      %swap3A_330 = arith.constant 0 : index
      %swap3A_331 = vector.load %arg15[%swap3A_329, %swap3A_330] : memref<8x512xf32, #tpu.memory_space<vmem>>, vector<1x512xf32>
      tpu.vector_store %arg15[%swap3A_329, %swap3A_330], %add3A_311 {strides = array<i32>} : memref<8x512xf32, #tpu.memory_space<vmem>>, vector<1x512xf32>,
    } else {
    }
    %gt3A = arith.constant 0 : i32
    %gt3A_317 = arith.cmpi sgt, %arg0, %gt3A : i32
    %convert_element_type3A_318 = arith.extui %gt3A_317 : i1 to i32
    %cond3A_319 = arith.constant 0 : i32
    %cond3A_320 = arith.cmpi ne, %convert_element_type3A_318, %cond3A_319 : i32
    scf.if %cond3A_320 {
      %get3A_326 = arith.constant 0 : index
      %get3A_327 = arith.constant 0 : index
      %get3A_328 = vector.load %arg15[%get3A_326, %get3A_327] : memref<8x512xf32, #tpu.memory_space<vmem>>, vector<1x512xf32>
      %add3A_329 = arith.addf %get3A_328, %add3A_304 : vector<1x512xf32>
      %swap3A_330 = arith.constant 0 : index
      %swap3A_331 = arith.constant 0 : index
      %swap3A_332 = vector.load %arg15[%swap3A_330, %swap3A_331] : memref<8x512xf32, #tpu.memory_space<vmem>>, vector<1x512xf32>
      tpu.vector_store %arg15[%swap3A_330, %swap3A_331], %add3A_329 {strides = array<i32>} : memref<8x512xf32, #tpu.memory_space<vmem>>, vector<1x512xf32>,
      %get3A_333 = arith.constant 1 : index
      %get3A_334 = arith.constant 0 : index
      %get3A_335 = vector.load %arg15[%get3A_333, %get3A_334] : memref<8x512xf32, #tpu.memory_space<vmem>>, vector<1x512xf32>
      %add3A_336 = arith.addf %get3A_335, %add3A_311 : vector<1x512xf32>
      %swap3A_337 = arith.constant 1 : index
      %swap3A_338 = arith.constant 0 : index
      %swap3A_339 = vector.load %arg15[%swap3A_337, %swap3A_338] : memref<8x512xf32, #tpu.memory_space<vmem>>, vector<1x512xf32>
      tpu.vector_store %arg15[%swap3A_337, %swap3A_338], %add3A_336 {strides = array<i32>} : memref<8x512xf32, #tpu.memory_space<vmem>>, vector<1x512xf32>,
    } else {
    }
    %eq3A_321 = arith.constant 3 : i32
    %eq3A_322 = arith.cmpi eq, %arg0, %eq3A_321 : i32
    %convert_element_type3A_323 = arith.extui %eq3A_322 : i1 to i32
    %cond3A_324 = arith.constant 0 : i32
    %cond3A_325 = arith.cmpi ne, %convert_element_type3A_323, %cond3A_324 : i32
    scf.if %cond3A_325 {
      %get3A_326 = arith.constant 0 : index
      %get3A_327 = arith.constant 0 : index
      %get3A_328 = vector.load %arg15[%get3A_326, %get3A_327] : memref<8x512xf32, #tpu.memory_space<vmem>>, vector<1x512xf32>
      %div3A_329 = arith.constant 4.912000e+03 : f32
      %div3A_330 = vector.broadcast %div3A_329 : f32 to vector<1x512xf32>
      %div3A_331 = arith.divf %get3A_328, %div3A_330 : vector<1x512xf32>
      %get3A_332 = arith.constant 1 : index
      %get3A_333 = arith.constant 0 : index
      %get3A_334 = vector.load %arg15[%get3A_332, %get3A_333] : memref<8x512xf32, #tpu.memory_space<vmem>>, vector<1x512xf32>
      %div3A_335 = arith.constant 4.912000e+03 : f32
      %div3A_336 = vector.broadcast %div3A_335 : f32 to vector<1x512xf32>
      %div3A_337 = arith.divf %get3A_334, %div3A_336 : vector<1x512xf32>
      %mul3A_338 = arith.mulf %div3A_331, %div3A_331 : vector<1x512xf32>
      %sub3A_339 = arith.subf %div3A_337, %mul3A_338 : vector<1x512xf32>
      %get3A_340 = arith.constant 0 : index
      %get3A_341 = vector.load %arg6[%get3A_340] : memref<512xf32, #tpu.memory_space<vmem>>, vector<512xf32>
      %reshape3A_342 = vector.shape_cast %get3A_341 : vector<512xf32> to vector<1x512xf32>
      %add3A_343 = arith.constant 9.99999974E-6 : f32
      %add3A_344 = vector.broadcast %add3A_343 : f32 to vector<1x512xf32>
      %add3A_345 = arith.addf %sub3A_339, %add3A_344 : vector<1x512xf32>
      %rsqrt3A = math.rsqrt %add3A_345 : vector<1x512xf32>
      %mul3A_346 = arith.mulf %reshape3A_342, %rsqrt3A : vector<1x512xf32>
      %get3A_347 = arith.constant 0 : index
      %get3A_348 = vector.load %arg7[%get3A_347] : memref<512xf32, #tpu.memory_space<vmem>>, vector<512xf32>
      %reshape3A_349 = vector.shape_cast %get3A_348 : vector<512xf32> to vector<1x512xf32>
      %mul3A_350 = arith.mulf %div3A_331, %mul3A_346 : vector<1x512xf32>
      %sub3A_351 = arith.subf %reshape3A_349, %mul3A_350 : vector<1x512xf32>
      %get3A_352 = arith.constant 0 : index
      %get3A_353 = arith.constant 0 : index
      %get3A_354 = vector.load %arg8[%get3A_352, %get3A_353] : memref<512x1024xf32, #tpu.memory_space<vmem>>, vector<512x1024xf32>
      %get3A_355 = arith.constant 0 : index
      %get3A_356 = vector.load %arg9[%get3A_355] : memref<1024xf32, #tpu.memory_space<vmem>>, vector<1024xf32>
      %reshape3A_357 = vector.shape_cast %get3A_356 : vector<1024xf32> to vector<1x1024xf32>
      %get3A_358 = arith.constant 0 : index
      %get3A_359 = arith.constant 1 : index
      %get3A_360 = memref.load %arg1[%get3A_358, %get3A_359] : memref<8x128xi32, #tpu.memory_space<smem>>
      %sub3A_361 = arith.constant 2 : i32
      %sub3A_362 = arith.subi %get3A_360, %sub3A_361 : i32
      %min3A = arith.constant 1228 : i32
      %min3A_363 = arith.minsi %sub3A_362, %min3A : i32
      %broadcast_in_dim3A_364 = arith.constant 0xFF800000 : f32
      %broadcast_in_dim3A_365 = vector.broadcast %broadcast_in_dim3A_364 : f32 to vector<1x1024xf32>
      %get3A_366 = arith.constant 0 : index
      %get3A_367 = arith.constant 0 : index
      %get3A_368 = arith.constant 0 : index
      %get3A_369 = vector.load %arg14[%get3A_366, %get3A_367, %get3A_368] : memref<4x1280x512xf32, #tpu.memory_space<vmem>>, vector<1x256x512xf32>
      %get3A_370 = vector.shape_cast %get3A_369 : vector<1x256x512xf32> to vector<256x512xf32>
      %mul3A_371 = vector.broadcast %mul3A_346 : vector<1x512xf32> to vector<256x512xf32>
      %mul3A_372 = arith.mulf %get3A_370, %mul3A_371 : vector<256x512xf32>
      %add3A_373 = vector.broadcast %sub3A_351 : vector<1x512xf32> to vector<256x512xf32>
      %add3A_374 = arith.addf %mul3A_372, %add3A_373 : vector<256x512xf32>
      %max3A = arith.constant 0.000000e+00 : f32
      %max3A_375 = vector.broadcast %max3A : f32 to vector<256x512xf32>
      %max3A_376 = arith.maximumf %add3A_374, %max3A_375 : vector<256x512xf32>
      %dot_general3A_377 = arith.constant dense<0.000000e+00> : vector<256x1024xf32>
      %dot_general3A_378 = tpu.matmul %max3A_376, %get3A_354, %dot_general3A_377 {dimension_numbers = #tpu.dot_dimension_numbers<[1], [0], [0], [1], [0, 0, 1, 1], [], []>, transpose_lhs_hint = false} : vector<256x512xf32>, vector<512x1024xf32>, vector<256x1024xf32> -> vector<256x1024xf32>
      %iota3A_379 = tpu.iota {dimensions = array<i32: 0>} : vector<256x1xi32>
      %add3A_380 = arith.constant 0 : i32
      %add3A_381 = vector.broadcast %add3A_380 : i32 to vector<256x1xi32>
      %add3A_382 = arith.addi %add3A_381, %iota3A_379 : vector<256x1xi32>
      %lt3A_383 = vector.broadcast %min3A_363 : i32 to vector<256x1xi32>
      %lt3A_384 = arith.cmpi slt, %add3A_382, %lt3A_383 : vector<256x1xi32>
      %jit3A_385 = arith.constant 0xFF800000 : f32
      %broadcast_in_dim3A_386 = vector.shape_cast %lt3A_384 : vector<256x1xi1> to vector<256x1xi1>
      %broadcast_in_dim3A_387 = vector.broadcast %broadcast_in_dim3A_386 : vector<256x1xi1> to vector<256x1024xi1>
      %broadcast_in_dim3A_388 = vector.broadcast %jit3A_385 : f32 to vector<256x1024xf32>
      %select_n3A_389 = arith.select %broadcast_in_dim3A_387, %dot_general3A_378, %broadcast_in_dim3A_388 : vector<256x1024xi1>, vector<256x1024xf32>
      %reduce_max3A = arith.constant dense<0xFF800000> : vector<1024xf32>
      %reduce_max3A_390 = vector.multi_reduction <maximumf>, %select_n3A_389, %reduce_max3A [0] : vector<256x1024xf32> to vector<1024xf32>
      %broadcast_in_dim3A_391 = vector.shape_cast %reduce_max3A_390 : vector<1024xf32> to vector<1x1024xf32>
      %max3A_392 = arith.maximumf %broadcast_in_dim3A_365, %broadcast_in_dim3A_391 : vector<1x1024xf32>
      %get3A_393 = arith.constant 0 : index
      %get3A_394 = arith.constant 256 : index
      %get3A_395 = arith.constant 0 : index
      %get3A_396 = vector.load %arg14[%get3A_393, %get3A_394, %get3A_395] : memref<4x1280x512xf32, #tpu.memory_space<vmem>>, vector<1x256x512xf32>
      %get3A_397 = vector.shape_cast %get3A_396 : vector<1x256x512xf32> to vector<256x512xf32>
      %mul3A_398 = vector.broadcast %mul3A_346 : vector<1x512xf32> to vector<256x512xf32>
      %mul3A_399 = arith.mulf %get3A_397, %mul3A_398 : vector<256x512xf32>
      %add3A_400 = vector.broadcast %sub3A_351 : vector<1x512xf32> to vector<256x512xf32>
      %add3A_401 = arith.addf %mul3A_399, %add3A_400 : vector<256x512xf32>
      %max3A_402 = arith.constant 0.000000e+00 : f32
      %max3A_403 = vector.broadcast %max3A_402 : f32 to vector<256x512xf32>
      %max3A_404 = arith.maximumf %add3A_401, %max3A_403 : vector<256x512xf32>
      %dot_general3A_405 = arith.constant dense<0.000000e+00> : vector<256x1024xf32>
      %dot_general3A_406 = tpu.matmul %max3A_404, %get3A_354, %dot_general3A_405 {dimension_numbers = #tpu.dot_dimension_numbers<[1], [0], [0], [1], [0, 0, 1, 1], [], []>, transpose_lhs_hint = false} : vector<256x512xf32>, vector<512x1024xf32>, vector<256x1024xf32> -> vector<256x1024xf32>
      %iota3A_407 = tpu.iota {dimensions = array<i32: 0>} : vector<256x1xi32>
      %add3A_408 = arith.constant 256 : i32
      %add3A_409 = vector.broadcast %add3A_408 : i32 to vector<256x1xi32>
      %add3A_410 = arith.addi %add3A_409, %iota3A_407 : vector<256x1xi32>
      %lt3A_411 = vector.broadcast %min3A_363 : i32 to vector<256x1xi32>
      %lt3A_412 = arith.cmpi slt, %add3A_410, %lt3A_411 : vector<256x1xi32>
      %jit3A_413 = arith.constant 0xFF800000 : f32
      %broadcast_in_dim3A_414 = vector.shape_cast %lt3A_412 : vector<256x1xi1> to vector<256x1xi1>
      %broadcast_in_dim3A_415 = vector.broadcast %broadcast_in_dim3A_414 : vector<256x1xi1> to vector<256x1024xi1>
      %broadcast_in_dim3A_416 = vector.broadcast %jit3A_413 : f32 to vector<256x1024xf32>
      %select_n3A_417 = arith.select %broadcast_in_dim3A_415, %dot_general3A_406, %broadcast_in_dim3A_416 : vector<256x1024xi1>, vector<256x1024xf32>
      %reduce_max3A_418 = arith.constant dense<0xFF800000> : vector<1024xf32>
      %reduce_max3A_419 = vector.multi_reduction <maximumf>, %select_n3A_417, %reduce_max3A_418 [0] : vector<256x1024xf32> to vector<1024xf32>
      %broadcast_in_dim3A_420 = vector.shape_cast %reduce_max3A_419 : vector<1024xf32> to vector<1x1024xf32>
      %max3A_421 = arith.maximumf %max3A_392, %broadcast_in_dim3A_420 : vector<1x1024xf32>
      %get3A_422 = arith.constant 0 : index
      %get3A_423 = arith.constant 512 : index
      %get3A_424 = arith.constant 0 : index
      %get3A_425 = vector.load %arg14[%get3A_422, %get3A_423, %get3A_424] : memref<4x1280x512xf32, #tpu.memory_space<vmem>>, vector<1x256x512xf32>
      %get3A_426 = vector.shape_cast %get3A_425 : vector<1x256x512xf32> to vector<256x512xf32>
      %mul3A_427 = vector.broadcast %mul3A_346 : vector<1x512xf32> to vector<256x512xf32>
      %mul3A_428 = arith.mulf %get3A_426, %mul3A_427 : vector<256x512xf32>
      %add3A_429 = vector.broadcast %sub3A_351 : vector<1x512xf32> to vector<256x512xf32>
      %add3A_430 = arith.addf %mul3A_428, %add3A_429 : vector<256x512xf32>
      %max3A_431 = arith.constant 0.000000e+00 : f32
      %max3A_432 = vector.broadcast %max3A_431 : f32 to vector<256x512xf32>
      %max3A_433 = arith.maximumf %add3A_430, %max3A_432 : vector<256x512xf32>
      %dot_general3A_434 = arith.constant dense<0.000000e+00> : vector<256x1024xf32>
      %dot_general3A_435 = tpu.matmul %max3A_433, %get3A_354, %dot_general3A_434 {dimension_numbers = #tpu.dot_dimension_numbers<[1], [0], [0], [1], [0, 0, 1, 1], [], []>, transpose_lhs_hint = false} : vector<256x512xf32>, vector<512x1024xf32>, vector<256x1024xf32> -> vector<256x1024xf32>
      %iota3A_436 = tpu.iota {dimensions = array<i32: 0>} : vector<256x1xi32>
      %add3A_437 = arith.constant 512 : i32
      %add3A_438 = vector.broadcast %add3A_437 : i32 to vector<256x1xi32>
      %add3A_439 = arith.addi %add3A_438, %iota3A_436 : vector<256x1xi32>
      %lt3A_440 = vector.broadcast %min3A_363 : i32 to vector<256x1xi32>
      %lt3A_441 = arith.cmpi slt, %add3A_439, %lt3A_440 : vector<256x1xi32>
      %jit3A_442 = arith.constant 0xFF800000 : f32
      %broadcast_in_dim3A_443 = vector.shape_cast %lt3A_441 : vector<256x1xi1> to vector<256x1xi1>
      %broadcast_in_dim3A_444 = vector.broadcast %broadcast_in_dim3A_443 : vector<256x1xi1> to vector<256x1024xi1>
      %broadcast_in_dim3A_445 = vector.broadcast %jit3A_442 : f32 to vector<256x1024xf32>
      %select_n3A_446 = arith.select %broadcast_in_dim3A_444, %dot_general3A_435, %broadcast_in_dim3A_445 : vector<256x1024xi1>, vector<256x1024xf32>
      %reduce_max3A_447 = arith.constant dense<0xFF800000> : vector<1024xf32>
      %reduce_max3A_448 = vector.multi_reduction <maximumf>, %select_n3A_446, %reduce_max3A_447 [0] : vector<256x1024xf32> to vector<1024xf32>
      %broadcast_in_dim3A_449 = vector.shape_cast %reduce_max3A_448 : vector<1024xf32> to vector<1x1024xf32>
      %max3A_450 = arith.maximumf %max3A_421, %broadcast_in_dim3A_449 : vector<1x1024xf32>
      %get3A_451 = arith.constant 0 : index
      %get3A_452 = arith.constant 768 : index
      %get3A_453 = arith.constant 0 : index
      %get3A_454 = vector.load %arg14[%get3A_451, %get3A_452, %get3A_453] : memref<4x1280x512xf32, #tpu.memory_space<vmem>>, vector<1x256x512xf32>
      %get3A_455 = vector.shape_cast %get3A_454 : vector<1x256x512xf32> to vector<256x512xf32>
      %mul3A_456 = vector.broadcast %mul3A_346 : vector<1x512xf32> to vector<256x512xf32>
      %mul3A_457 = arith.mulf %get3A_455, %mul3A_456 : vector<256x512xf32>
      %add3A_458 = vector.broadcast %sub3A_351 : vector<1x512xf32> to vector<256x512xf32>
      %add3A_459 = arith.addf %mul3A_457, %add3A_458 : vector<256x512xf32>
      %max3A_460 = arith.constant 0.000000e+00 : f32
      %max3A_461 = vector.broadcast %max3A_460 : f32 to vector<256x512xf32>
      %max3A_462 = arith.maximumf %add3A_459, %max3A_461 : vector<256x512xf32>
      %dot_general3A_463 = arith.constant dense<0.000000e+00> : vector<256x1024xf32>
      %dot_general3A_464 = tpu.matmul %max3A_462, %get3A_354, %dot_general3A_463 {dimension_numbers = #tpu.dot_dimension_numbers<[1], [0], [0], [1], [0, 0, 1, 1], [], []>, transpose_lhs_hint = false} : vector<256x512xf32>, vector<512x1024xf32>, vector<256x1024xf32> -> vector<256x1024xf32>
      %iota3A_465 = tpu.iota {dimensions = array<i32: 0>} : vector<256x1xi32>
      %add3A_466 = arith.constant 768 : i32
      %add3A_467 = vector.broadcast %add3A_466 : i32 to vector<256x1xi32>
      %add3A_468 = arith.addi %add3A_467, %iota3A_465 : vector<256x1xi32>
      %lt3A_469 = vector.broadcast %min3A_363 : i32 to vector<256x1xi32>
      %lt3A_470 = arith.cmpi slt, %add3A_468, %lt3A_469 : vector<256x1xi32>
      %jit3A_471 = arith.constant 0xFF800000 : f32
      %broadcast_in_dim3A_472 = vector.shape_cast %lt3A_470 : vector<256x1xi1> to vector<256x1xi1>
      %broadcast_in_dim3A_473 = vector.broadcast %broadcast_in_dim3A_472 : vector<256x1xi1> to vector<256x1024xi1>
      %broadcast_in_dim3A_474 = vector.broadcast %jit3A_471 : f32 to vector<256x1024xf32>
      %select_n3A_475 = arith.select %broadcast_in_dim3A_473, %dot_general3A_464, %broadcast_in_dim3A_474 : vector<256x1024xi1>, vector<256x1024xf32>
      %reduce_max3A_476 = arith.constant dense<0xFF800000> : vector<1024xf32>
      %reduce_max3A_477 = vector.multi_reduction <maximumf>, %select_n3A_475, %reduce_max3A_476 [0] : vector<256x1024xf32> to vector<1024xf32>
      %broadcast_in_dim3A_478 = vector.shape_cast %reduce_max3A_477 : vector<1024xf32> to vector<1x1024xf32>
      %max3A_479 = arith.maximumf %max3A_450, %broadcast_in_dim3A_478 : vector<1x1024xf32>
      %get3A_480 = arith.constant 0 : index
      %get3A_481 = arith.constant 1024 : index
      %get3A_482 = arith.constant 0 : index
      %get3A_483 = vector.load %arg14[%get3A_480, %get3A_481, %get3A_482] : memref<4x1280x512xf32, #tpu.memory_space<vmem>>, vector<1x256x512xf32>
      %get3A_484 = vector.shape_cast %get3A_483 : vector<1x256x512xf32> to vector<256x512xf32>
      %mul3A_485 = vector.broadcast %mul3A_346 : vector<1x512xf32> to vector<256x512xf32>
      %mul3A_486 = arith.mulf %get3A_484, %mul3A_485 : vector<256x512xf32>
      %add3A_487 = vector.broadcast %sub3A_351 : vector<1x512xf32> to vector<256x512xf32>
      %add3A_488 = arith.addf %mul3A_486, %add3A_487 : vector<256x512xf32>
      %max3A_489 = arith.constant 0.000000e+00 : f32
      %max3A_490 = vector.broadcast %max3A_489 : f32 to vector<256x512xf32>
      %max3A_491 = arith.maximumf %add3A_488, %max3A_490 : vector<256x512xf32>
      %dot_general3A_492 = arith.constant dense<0.000000e+00> : vector<256x1024xf32>
      %dot_general3A_493 = tpu.matmul %max3A_491, %get3A_354, %dot_general3A_492 {dimension_numbers = #tpu.dot_dimension_numbers<[1], [0], [0], [1], [0, 0, 1, 1], [], []>, transpose_lhs_hint = false} : vector<256x512xf32>, vector<512x1024xf32>, vector<256x1024xf32> -> vector<256x1024xf32>
      %iota3A_494 = tpu.iota {dimensions = array<i32: 0>} : vector<256x1xi32>
      %add3A_495 = arith.constant 1024 : i32
      %add3A_496 = vector.broadcast %add3A_495 : i32 to vector<256x1xi32>
      %add3A_497 = arith.addi %add3A_496, %iota3A_494 : vector<256x1xi32>
      %lt3A_498 = vector.broadcast %min3A_363 : i32 to vector<256x1xi32>
      %lt3A_499 = arith.cmpi slt, %add3A_497, %lt3A_498 : vector<256x1xi32>
      %jit3A_500 = arith.constant 0xFF800000 : f32
      %broadcast_in_dim3A_501 = vector.shape_cast %lt3A_499 : vector<256x1xi1> to vector<256x1xi1>
      %broadcast_in_dim3A_502 = vector.broadcast %broadcast_in_dim3A_501 : vector<256x1xi1> to vector<256x1024xi1>
      %broadcast_in_dim3A_503 = vector.broadcast %jit3A_500 : f32 to vector<256x1024xf32>
      %select_n3A_504 = arith.select %broadcast_in_dim3A_502, %dot_general3A_493, %broadcast_in_dim3A_503 : vector<256x1024xi1>, vector<256x1024xf32>
      %reduce_max3A_505 = arith.constant dense<0xFF800000> : vector<1024xf32>
      %reduce_max3A_506 = vector.multi_reduction <maximumf>, %select_n3A_504, %reduce_max3A_505 [0] : vector<256x1024xf32> to vector<1024xf32>
      %broadcast_in_dim3A_507 = vector.shape_cast %reduce_max3A_506 : vector<1024xf32> to vector<1x1024xf32>
      %max3A_508 = arith.maximumf %max3A_479, %broadcast_in_dim3A_507 : vector<1x1024xf32>
      %add3A_509 = arith.addf %max3A_508, %reshape3A_357 : vector<1x1024xf32>
      %swap3A_510 = arith.constant 0 : index
      %swap3A_511 = arith.constant 0 : index
      %swap3A_512 = vector.load %arg13[%swap3A_510, %swap3A_511] : memref<4x1024xf32, #tpu.memory_space<vmem>>, vector<1x1024xf32>
      tpu.vector_store %arg13[%swap3A_510, %swap3A_511], %add3A_509 {strides = array<i32>} : memref<4x1024xf32, #tpu.memory_space<vmem>>, vector<1x1024xf32>,
      %get3A_513 = arith.constant 0 : index
      %get3A_514 = arith.constant 0 : index
      %get3A_515 = vector.load %arg12[%get3A_513, %get3A_514] : memref<4x1024xf32, #tpu.memory_space<vmem>>, vector<1x1024xf32>
      %add3A_516 = arith.addf %get3A_515, %add3A_509 : vector<1x1024xf32>
      %swap3A_517 = arith.constant 0 : index
      %swap3A_518 = arith.constant 0 : index
      %swap3A_519 = vector.load %arg12[%swap3A_517, %swap3A_518] : memref<4x1024xf32, #tpu.memory_space<vmem>>, vector<1x1024xf32>
      tpu.vector_store %arg12[%swap3A_517, %swap3A_518], %add3A_516 {strides = array<i32>} : memref<4x1024xf32, #tpu.memory_space<vmem>>, vector<1x1024xf32>,
      %get3A_520 = arith.constant 1 : index
      %get3A_521 = arith.constant 1 : index
      %get3A_522 = memref.load %arg1[%get3A_520, %get3A_521] : memref<8x128xi32, #tpu.memory_space<smem>>
      %sub3A_523 = arith.constant 2 : i32
      %sub3A_524 = arith.subi %get3A_522, %sub3A_523 : i32
      %min3A_525 = arith.constant 1228 : i32
      %min3A_526 = arith.minsi %sub3A_524, %min3A_525 : i32
      %broadcast_in_dim3A_527 = arith.constant 0xFF800000 : f32
      %broadcast_in_dim3A_528 = vector.broadcast %broadcast_in_dim3A_527 : f32 to vector<1x1024xf32>
      %get3A_529 = arith.constant 1 : index
      %get3A_530 = arith.constant 0 : index
      %get3A_531 = arith.constant 0 : index
      %get3A_532 = vector.load %arg14[%get3A_529, %get3A_530, %get3A_531] : memref<4x1280x512xf32, #tpu.memory_space<vmem>>, vector<1x256x512xf32>
      %get3A_533 = vector.shape_cast %get3A_532 : vector<1x256x512xf32> to vector<256x512xf32>
      %mul3A_534 = vector.broadcast %mul3A_346 : vector<1x512xf32> to vector<256x512xf32>
      %mul3A_535 = arith.mulf %get3A_533, %mul3A_534 : vector<256x512xf32>
      %add3A_536 = vector.broadcast %sub3A_351 : vector<1x512xf32> to vector<256x512xf32>
      %add3A_537 = arith.addf %mul3A_535, %add3A_536 : vector<256x512xf32>
      %max3A_538 = arith.constant 0.000000e+00 : f32
      %max3A_539 = vector.broadcast %max3A_538 : f32 to vector<256x512xf32>
      %max3A_540 = arith.maximumf %add3A_537, %max3A_539 : vector<256x512xf32>
      %dot_general3A_541 = arith.constant dense<0.000000e+00> : vector<256x1024xf32>
      %dot_general3A_542 = tpu.matmul %max3A_540, %get3A_354, %dot_general3A_541 {dimension_numbers = #tpu.dot_dimension_numbers<[1], [0], [0], [1], [0, 0, 1, 1], [], []>, transpose_lhs_hint = false} : vector<256x512xf32>, vector<512x1024xf32>, vector<256x1024xf32> -> vector<256x1024xf32>
      %iota3A_543 = tpu.iota {dimensions = array<i32: 0>} : vector<256x1xi32>
      %add3A_544 = arith.constant 0 : i32
      %add3A_545 = vector.broadcast %add3A_544 : i32 to vector<256x1xi32>
      %add3A_546 = arith.addi %add3A_545, %iota3A_543 : vector<256x1xi32>
      %lt3A_547 = vector.broadcast %min3A_526 : i32 to vector<256x1xi32>
      %lt3A_548 = arith.cmpi slt, %add3A_546, %lt3A_547 : vector<256x1xi32>
      %jit3A_549 = arith.constant 0xFF800000 : f32
      %broadcast_in_dim3A_550 = vector.shape_cast %lt3A_548 : vector<256x1xi1> to vector<256x1xi1>
      %broadcast_in_dim3A_551 = vector.broadcast %broadcast_in_dim3A_550 : vector<256x1xi1> to vector<256x1024xi1>
      %broadcast_in_dim3A_552 = vector.broadcast %jit3A_549 : f32 to vector<256x1024xf32>
      %select_n3A_553 = arith.select %broadcast_in_dim3A_551, %dot_general3A_542, %broadcast_in_dim3A_552 : vector<256x1024xi1>, vector<256x1024xf32>
      %reduce_max3A_554 = arith.constant dense<0xFF800000> : vector<1024xf32>
      %reduce_max3A_555 = vector.multi_reduction <maximumf>, %select_n3A_553, %reduce_max3A_554 [0] : vector<256x1024xf32> to vector<1024xf32>
      %broadcast_in_dim3A_556 = vector.shape_cast %reduce_max3A_555 : vector<1024xf32> to vector<1x1024xf32>
      %max3A_557 = arith.maximumf %broadcast_in_dim3A_528, %broadcast_in_dim3A_556 : vector<1x1024xf32>
      %get3A_558 = arith.constant 1 : index
      %get3A_559 = arith.constant 256 : index
      %get3A_560 = arith.constant 0 : index
      %get3A_561 = vector.load %arg14[%get3A_558, %get3A_559, %get3A_560] : memref<4x1280x512xf32, #tpu.memory_space<vmem>>, vector<1x256x512xf32>
      %get3A_562 = vector.shape_cast %get3A_561 : vector<1x256x512xf32> to vector<256x512xf32>
      %mul3A_563 = vector.broadcast %mul3A_346 : vector<1x512xf32> to vector<256x512xf32>
      %mul3A_564 = arith.mulf %get3A_562, %mul3A_563 : vector<256x512xf32>
      %add3A_565 = vector.broadcast %sub3A_351 : vector<1x512xf32> to vector<256x512xf32>
      %add3A_566 = arith.addf %mul3A_564, %add3A_565 : vector<256x512xf32>
      %max3A_567 = arith.constant 0.000000e+00 : f32
      %max3A_568 = vector.broadcast %max3A_567 : f32 to vector<256x512xf32>
      %max3A_569 = arith.maximumf %add3A_566, %max3A_568 : vector<256x512xf32>
      %dot_general3A_570 = arith.constant dense<0.000000e+00> : vector<256x1024xf32>
      %dot_general3A_571 = tpu.matmul %max3A_569, %get3A_354, %dot_general3A_570 {dimension_numbers = #tpu.dot_dimension_numbers<[1], [0], [0], [1], [0, 0, 1, 1], [], []>, transpose_lhs_hint = false} : vector<256x512xf32>, vector<512x1024xf32>, vector<256x1024xf32> -> vector<256x1024xf32>
      %iota3A_572 = tpu.iota {dimensions = array<i32: 0>} : vector<256x1xi32>
      %add3A_573 = arith.constant 256 : i32
      %add3A_574 = vector.broadcast %add3A_573 : i32 to vector<256x1xi32>
      %add3A_575 = arith.addi %add3A_574, %iota3A_572 : vector<256x1xi32>
      %lt3A_576 = vector.broadcast %min3A_526 : i32 to vector<256x1xi32>
      %lt3A_577 = arith.cmpi slt, %add3A_575, %lt3A_576 : vector<256x1xi32>
      %jit3A_578 = arith.constant 0xFF800000 : f32
      %broadcast_in_dim3A_579 = vector.shape_cast %lt3A_577 : vector<256x1xi1> to vector<256x1xi1>
      %broadcast_in_dim3A_580 = vector.broadcast %broadcast_in_dim3A_579 : vector<256x1xi1> to vector<256x1024xi1>
      %broadcast_in_dim3A_581 = vector.broadcast %jit3A_578 : f32 to vector<256x1024xf32>
      %select_n3A_582 = arith.select %broadcast_in_dim3A_580, %dot_general3A_571, %broadcast_in_dim3A_581 : vector<256x1024xi1>, vector<256x1024xf32>
      %reduce_max3A_583 = arith.constant dense<0xFF800000> : vector<1024xf32>
      %reduce_max3A_584 = vector.multi_reduction <maximumf>, %select_n3A_582, %reduce_max3A_583 [0] : vector<256x1024xf32> to vector<1024xf32>
      %broadcast_in_dim3A_585 = vector.shape_cast %reduce_max3A_584 : vector<1024xf32> to vector<1x1024xf32>
      %max3A_586 = arith.maximumf %max3A_557, %broadcast_in_dim3A_585 : vector<1x1024xf32>
      %get3A_587 = arith.constant 1 : index
      %get3A_588 = arith.constant 512 : index
      %get3A_589 = arith.constant 0 : index
      %get3A_590 = vector.load %arg14[%get3A_587, %get3A_588, %get3A_589] : memref<4x1280x512xf32, #tpu.memory_space<vmem>>, vector<1x256x512xf32>
      %get3A_591 = vector.shape_cast %get3A_590 : vector<1x256x512xf32> to vector<256x512xf32>
      %mul3A_592 = vector.broadcast %mul3A_346 : vector<1x512xf32> to vector<256x512xf32>
      %mul3A_593 = arith.mulf %get3A_591, %mul3A_592 : vector<256x512xf32>
      %add3A_594 = vector.broadcast %sub3A_351 : vector<1x512xf32> to vector<256x512xf32>
      %add3A_595 = arith.addf %mul3A_593, %add3A_594 : vector<256x512xf32>
      %max3A_596 = arith.constant 0.000000e+00 : f32
      %max3A_597 = vector.broadcast %max3A_596 : f32 to vector<256x512xf32>
      %max3A_598 = arith.maximumf %add3A_595, %max3A_597 : vector<256x512xf32>
      %dot_general3A_599 = arith.constant dense<0.000000e+00> : vector<256x1024xf32>
      %dot_general3A_600 = tpu.matmul %max3A_598, %get3A_354, %dot_general3A_599 {dimension_numbers = #tpu.dot_dimension_numbers<[1], [0], [0], [1], [0, 0, 1, 1], [], []>, transpose_lhs_hint = false} : vector<256x512xf32>, vector<512x1024xf32>, vector<256x1024xf32> -> vector<256x1024xf32>
      %iota3A_601 = tpu.iota {dimensions = array<i32: 0>} : vector<256x1xi32>
      %add3A_602 = arith.constant 512 : i32
      %add3A_603 = vector.broadcast %add3A_602 : i32 to vector<256x1xi32>
      %add3A_604 = arith.addi %add3A_603, %iota3A_601 : vector<256x1xi32>
      %lt3A_605 = vector.broadcast %min3A_526 : i32 to vector<256x1xi32>
      %lt3A_606 = arith.cmpi slt, %add3A_604, %lt3A_605 : vector<256x1xi32>
      %jit3A_607 = arith.constant 0xFF800000 : f32
      %broadcast_in_dim3A_608 = vector.shape_cast %lt3A_606 : vector<256x1xi1> to vector<256x1xi1>
      %broadcast_in_dim3A_609 = vector.broadcast %broadcast_in_dim3A_608 : vector<256x1xi1> to vector<256x1024xi1>
      %broadcast_in_dim3A_610 = vector.broadcast %jit3A_607 : f32 to vector<256x1024xf32>
      %select_n3A_611 = arith.select %broadcast_in_dim3A_609, %dot_general3A_600, %broadcast_in_dim3A_610 : vector<256x1024xi1>, vector<256x1024xf32>
      %reduce_max3A_612 = arith.constant dense<0xFF800000> : vector<1024xf32>
      %reduce_max3A_613 = vector.multi_reduction <maximumf>, %select_n3A_611, %reduce_max3A_612 [0] : vector<256x1024xf32> to vector<1024xf32>
      %broadcast_in_dim3A_614 = vector.shape_cast %reduce_max3A_613 : vector<1024xf32> to vector<1x1024xf32>
      %max3A_615 = arith.maximumf %max3A_586, %broadcast_in_dim3A_614 : vector<1x1024xf32>
      %get3A_616 = arith.constant 1 : index
      %get3A_617 = arith.constant 768 : index
      %get3A_618 = arith.constant 0 : index
      %get3A_619 = vector.load %arg14[%get3A_616, %get3A_617, %get3A_618] : memref<4x1280x512xf32, #tpu.memory_space<vmem>>, vector<1x256x512xf32>
      %get3A_620 = vector.shape_cast %get3A_619 : vector<1x256x512xf32> to vector<256x512xf32>
      %mul3A_621 = vector.broadcast %mul3A_346 : vector<1x512xf32> to vector<256x512xf32>
      %mul3A_622 = arith.mulf %get3A_620, %mul3A_621 : vector<256x512xf32>
      %add3A_623 = vector.broadcast %sub3A_351 : vector<1x512xf32> to vector<256x512xf32>
      %add3A_624 = arith.addf %mul3A_622, %add3A_623 : vector<256x512xf32>
      %max3A_625 = arith.constant 0.000000e+00 : f32
      %max3A_626 = vector.broadcast %max3A_625 : f32 to vector<256x512xf32>
      %max3A_627 = arith.maximumf %add3A_624, %max3A_626 : vector<256x512xf32>
      %dot_general3A_628 = arith.constant dense<0.000000e+00> : vector<256x1024xf32>
      %dot_general3A_629 = tpu.matmul %max3A_627, %get3A_354, %dot_general3A_628 {dimension_numbers = #tpu.dot_dimension_numbers<[1], [0], [0], [1], [0, 0, 1, 1], [], []>, transpose_lhs_hint = false} : vector<256x512xf32>, vector<512x1024xf32>, vector<256x1024xf32> -> vector<256x1024xf32>
      %iota3A_630 = tpu.iota {dimensions = array<i32: 0>} : vector<256x1xi32>
      %add3A_631 = arith.constant 768 : i32
      %add3A_632 = vector.broadcast %add3A_631 : i32 to vector<256x1xi32>
      %add3A_633 = arith.addi %add3A_632, %iota3A_630 : vector<256x1xi32>
      %lt3A_634 = vector.broadcast %min3A_526 : i32 to vector<256x1xi32>
      %lt3A_635 = arith.cmpi slt, %add3A_633, %lt3A_634 : vector<256x1xi32>
      %jit3A_636 = arith.constant 0xFF800000 : f32
      %broadcast_in_dim3A_637 = vector.shape_cast %lt3A_635 : vector<256x1xi1> to vector<256x1xi1>
      %broadcast_in_dim3A_638 = vector.broadcast %broadcast_in_dim3A_637 : vector<256x1xi1> to vector<256x1024xi1>
      %broadcast_in_dim3A_639 = vector.broadcast %jit3A_636 : f32 to vector<256x1024xf32>
      %select_n3A_640 = arith.select %broadcast_in_dim3A_638, %dot_general3A_629, %broadcast_in_dim3A_639 : vector<256x1024xi1>, vector<256x1024xf32>
      %reduce_max3A_641 = arith.constant dense<0xFF800000> : vector<1024xf32>
      %reduce_max3A_642 = vector.multi_reduction <maximumf>, %select_n3A_640, %reduce_max3A_641 [0] : vector<256x1024xf32> to vector<1024xf32>
      %broadcast_in_dim3A_643 = vector.shape_cast %reduce_max3A_642 : vector<1024xf32> to vector<1x1024xf32>
      %max3A_644 = arith.maximumf %max3A_615, %broadcast_in_dim3A_643 : vector<1x1024xf32>
      %get3A_645 = arith.constant 1 : index
      %get3A_646 = arith.constant 1024 : index
      %get3A_647 = arith.constant 0 : index
      %get3A_648 = vector.load %arg14[%get3A_645, %get3A_646, %get3A_647] : memref<4x1280x512xf32, #tpu.memory_space<vmem>>, vector<1x256x512xf32>
      %get3A_649 = vector.shape_cast %get3A_648 : vector<1x256x512xf32> to vector<256x512xf32>
      %mul3A_650 = vector.broadcast %mul3A_346 : vector<1x512xf32> to vector<256x512xf32>
      %mul3A_651 = arith.mulf %get3A_649, %mul3A_650 : vector<256x512xf32>
      %add3A_652 = vector.broadcast %sub3A_351 : vector<1x512xf32> to vector<256x512xf32>
      %add3A_653 = arith.addf %mul3A_651, %add3A_652 : vector<256x512xf32>
      %max3A_654 = arith.constant 0.000000e+00 : f32
      %max3A_655 = vector.broadcast %max3A_654 : f32 to vector<256x512xf32>
      %max3A_656 = arith.maximumf %add3A_653, %max3A_655 : vector<256x512xf32>
      %dot_general3A_657 = arith.constant dense<0.000000e+00> : vector<256x1024xf32>
      %dot_general3A_658 = tpu.matmul %max3A_656, %get3A_354, %dot_general3A_657 {dimension_numbers = #tpu.dot_dimension_numbers<[1], [0], [0], [1], [0, 0, 1, 1], [], []>, transpose_lhs_hint = false} : vector<256x512xf32>, vector<512x1024xf32>, vector<256x1024xf32> -> vector<256x1024xf32>
      %iota3A_659 = tpu.iota {dimensions = array<i32: 0>} : vector<256x1xi32>
      %add3A_660 = arith.constant 1024 : i32
      %add3A_661 = vector.broadcast %add3A_660 : i32 to vector<256x1xi32>
      %add3A_662 = arith.addi %add3A_661, %iota3A_659 : vector<256x1xi32>
      %lt3A_663 = vector.broadcast %min3A_526 : i32 to vector<256x1xi32>
      %lt3A_664 = arith.cmpi slt, %add3A_662, %lt3A_663 : vector<256x1xi32>
      %jit3A_665 = arith.constant 0xFF800000 : f32
      %broadcast_in_dim3A_666 = vector.shape_cast %lt3A_664 : vector<256x1xi1> to vector<256x1xi1>
      %broadcast_in_dim3A_667 = vector.broadcast %broadcast_in_dim3A_666 : vector<256x1xi1> to vector<256x1024xi1>
      %broadcast_in_dim3A_668 = vector.broadcast %jit3A_665 : f32 to vector<256x1024xf32>
      %select_n3A_669 = arith.select %broadcast_in_dim3A_667, %dot_general3A_658, %broadcast_in_dim3A_668 : vector<256x1024xi1>, vector<256x1024xf32>
      %reduce_max3A_670 = arith.constant dense<0xFF800000> : vector<1024xf32>
      %reduce_max3A_671 = vector.multi_reduction <maximumf>, %select_n3A_669, %reduce_max3A_670 [0] : vector<256x1024xf32> to vector<1024xf32>
      %broadcast_in_dim3A_672 = vector.shape_cast %reduce_max3A_671 : vector<1024xf32> to vector<1x1024xf32>
      %max3A_673 = arith.maximumf %max3A_644, %broadcast_in_dim3A_672 : vector<1x1024xf32>
      %add3A_674 = arith.addf %max3A_673, %reshape3A_357 : vector<1x1024xf32>
      %swap3A_675 = arith.constant 1 : index
      %swap3A_676 = arith.constant 0 : index
      %swap3A_677 = vector.load %arg13[%swap3A_675, %swap3A_676] : memref<4x1024xf32, #tpu.memory_space<vmem>>, vector<1x1024xf32>
      tpu.vector_store %arg13[%swap3A_675, %swap3A_676], %add3A_674 {strides = array<i32>} : memref<4x1024xf32, #tpu.memory_space<vmem>>, vector<1x1024xf32>,
      %get3A_678 = arith.constant 1 : index
      %get3A_679 = arith.constant 0 : index
      %get3A_680 = vector.load %arg12[%get3A_678, %get3A_679] : memref<4x1024xf32, #tpu.memory_space<vmem>>, vector<1x1024xf32>
      %add3A_681 = arith.addf %get3A_680, %add3A_674 : vector<1x1024xf32>
      %swap3A_682 = arith.constant 1 : index
      %swap3A_683 = arith.constant 0 : index
      %swap3A_684 = vector.load %arg12[%swap3A_682, %swap3A_683] : memref<4x1024xf32, #tpu.memory_space<vmem>>, vector<1x1024xf32>
      tpu.vector_store %arg12[%swap3A_682, %swap3A_683], %add3A_681 {strides = array<i32>} : memref<4x1024xf32, #tpu.memory_space<vmem>>, vector<1x1024xf32>,
      %get3A_685 = arith.constant 2 : index
      %get3A_686 = arith.constant 1 : index
      %get3A_687 = memref.load %arg1[%get3A_685, %get3A_686] : memref<8x128xi32, #tpu.memory_space<smem>>
      %sub3A_688 = arith.constant 2 : i32
      %sub3A_689 = arith.subi %get3A_687, %sub3A_688 : i32
      %min3A_690 = arith.constant 1228 : i32
      %min3A_691 = arith.minsi %sub3A_689, %min3A_690 : i32
      %broadcast_in_dim3A_692 = arith.constant 0xFF800000 : f32
      %broadcast_in_dim3A_693 = vector.broadcast %broadcast_in_dim3A_692 : f32 to vector<1x1024xf32>
      %get3A_694 = arith.constant 2 : index
      %get3A_695 = arith.constant 0 : index
      %get3A_696 = arith.constant 0 : index
      %get3A_697 = vector.load %arg14[%get3A_694, %get3A_695, %get3A_696] : memref<4x1280x512xf32, #tpu.memory_space<vmem>>, vector<1x256x512xf32>
      %get3A_698 = vector.shape_cast %get3A_697 : vector<1x256x512xf32> to vector<256x512xf32>
      %mul3A_699 = vector.broadcast %mul3A_346 : vector<1x512xf32> to vector<256x512xf32>
      %mul3A_700 = arith.mulf %get3A_698, %mul3A_699 : vector<256x512xf32>
      %add3A_701 = vector.broadcast %sub3A_351 : vector<1x512xf32> to vector<256x512xf32>
      %add3A_702 = arith.addf %mul3A_700, %add3A_701 : vector<256x512xf32>
      %max3A_703 = arith.constant 0.000000e+00 : f32
      %max3A_704 = vector.broadcast %max3A_703 : f32 to vector<256x512xf32>
      %max3A_705 = arith.maximumf %add3A_702, %max3A_704 : vector<256x512xf32>
      %dot_general3A_706 = arith.constant dense<0.000000e+00> : vector<256x1024xf32>
      %dot_general3A_707 = tpu.matmul %max3A_705, %get3A_354, %dot_general3A_706 {dimension_numbers = #tpu.dot_dimension_numbers<[1], [0], [0], [1], [0, 0, 1, 1], [], []>, transpose_lhs_hint = false} : vector<256x512xf32>, vector<512x1024xf32>, vector<256x1024xf32> -> vector<256x1024xf32>
      %iota3A_708 = tpu.iota {dimensions = array<i32: 0>} : vector<256x1xi32>
      %add3A_709 = arith.constant 0 : i32
      %add3A_710 = vector.broadcast %add3A_709 : i32 to vector<256x1xi32>
      %add3A_711 = arith.addi %add3A_710, %iota3A_708 : vector<256x1xi32>
      %lt3A_712 = vector.broadcast %min3A_691 : i32 to vector<256x1xi32>
      %lt3A_713 = arith.cmpi slt, %add3A_711, %lt3A_712 : vector<256x1xi32>
      %jit3A_714 = arith.constant 0xFF800000 : f32
      %broadcast_in_dim3A_715 = vector.shape_cast %lt3A_713 : vector<256x1xi1> to vector<256x1xi1>
      %broadcast_in_dim3A_716 = vector.broadcast %broadcast_in_dim3A_715 : vector<256x1xi1> to vector<256x1024xi1>
      %broadcast_in_dim3A_717 = vector.broadcast %jit3A_714 : f32 to vector<256x1024xf32>
      %select_n3A_718 = arith.select %broadcast_in_dim3A_716, %dot_general3A_707, %broadcast_in_dim3A_717 : vector<256x1024xi1>, vector<256x1024xf32>
      %reduce_max3A_719 = arith.constant dense<0xFF800000> : vector<1024xf32>
      %reduce_max3A_720 = vector.multi_reduction <maximumf>, %select_n3A_718, %reduce_max3A_719 [0] : vector<256x1024xf32> to vector<1024xf32>
      %broadcast_in_dim3A_721 = vector.shape_cast %reduce_max3A_720 : vector<1024xf32> to vector<1x1024xf32>
      %max3A_722 = arith.maximumf %broadcast_in_dim3A_693, %broadcast_in_dim3A_721 : vector<1x1024xf32>
      %get3A_723 = arith.constant 2 : index
      %get3A_724 = arith.constant 256 : index
      %get3A_725 = arith.constant 0 : index
      %get3A_726 = vector.load %arg14[%get3A_723, %get3A_724, %get3A_725] : memref<4x1280x512xf32, #tpu.memory_space<vmem>>, vector<1x256x512xf32>
      %get3A_727 = vector.shape_cast %get3A_726 : vector<1x256x512xf32> to vector<256x512xf32>
      %mul3A_728 = vector.broadcast %mul3A_346 : vector<1x512xf32> to vector<256x512xf32>
      %mul3A_729 = arith.mulf %get3A_727, %mul3A_728 : vector<256x512xf32>
      %add3A_730 = vector.broadcast %sub3A_351 : vector<1x512xf32> to vector<256x512xf32>
      %add3A_731 = arith.addf %mul3A_729, %add3A_730 : vector<256x512xf32>
      %max3A_732 = arith.constant 0.000000e+00 : f32
      %max3A_733 = vector.broadcast %max3A_732 : f32 to vector<256x512xf32>
      %max3A_734 = arith.maximumf %add3A_731, %max3A_733 : vector<256x512xf32>
      %dot_general3A_735 = arith.constant dense<0.000000e+00> : vector<256x1024xf32>
      %dot_general3A_736 = tpu.matmul %max3A_734, %get3A_354, %dot_general3A_735 {dimension_numbers = #tpu.dot_dimension_numbers<[1], [0], [0], [1], [0, 0, 1, 1], [], []>, transpose_lhs_hint = false} : vector<256x512xf32>, vector<512x1024xf32>, vector<256x1024xf32> -> vector<256x1024xf32>
      %iota3A_737 = tpu.iota {dimensions = array<i32: 0>} : vector<256x1xi32>
      %add3A_738 = arith.constant 256 : i32
      %add3A_739 = vector.broadcast %add3A_738 : i32 to vector<256x1xi32>
      %add3A_740 = arith.addi %add3A_739, %iota3A_737 : vector<256x1xi32>
      %lt3A_741 = vector.broadcast %min3A_691 : i32 to vector<256x1xi32>
      %lt3A_742 = arith.cmpi slt, %add3A_740, %lt3A_741 : vector<256x1xi32>
      %jit3A_743 = arith.constant 0xFF800000 : f32
      %broadcast_in_dim3A_744 = vector.shape_cast %lt3A_742 : vector<256x1xi1> to vector<256x1xi1>
      %broadcast_in_dim3A_745 = vector.broadcast %broadcast_in_dim3A_744 : vector<256x1xi1> to vector<256x1024xi1>
      %broadcast_in_dim3A_746 = vector.broadcast %jit3A_743 : f32 to vector<256x1024xf32>
      %select_n3A_747 = arith.select %broadcast_in_dim3A_745, %dot_general3A_736, %broadcast_in_dim3A_746 : vector<256x1024xi1>, vector<256x1024xf32>
      %reduce_max3A_748 = arith.constant dense<0xFF800000> : vector<1024xf32>
      %reduce_max3A_749 = vector.multi_reduction <maximumf>, %select_n3A_747, %reduce_max3A_748 [0] : vector<256x1024xf32> to vector<1024xf32>
      %broadcast_in_dim3A_750 = vector.shape_cast %reduce_max3A_749 : vector<1024xf32> to vector<1x1024xf32>
      %max3A_751 = arith.maximumf %max3A_722, %broadcast_in_dim3A_750 : vector<1x1024xf32>
      %get3A_752 = arith.constant 2 : index
      %get3A_753 = arith.constant 512 : index
      %get3A_754 = arith.constant 0 : index
      %get3A_755 = vector.load %arg14[%get3A_752, %get3A_753, %get3A_754] : memref<4x1280x512xf32, #tpu.memory_space<vmem>>, vector<1x256x512xf32>
      %get3A_756 = vector.shape_cast %get3A_755 : vector<1x256x512xf32> to vector<256x512xf32>
      %mul3A_757 = vector.broadcast %mul3A_346 : vector<1x512xf32> to vector<256x512xf32>
      %mul3A_758 = arith.mulf %get3A_756, %mul3A_757 : vector<256x512xf32>
      %add3A_759 = vector.broadcast %sub3A_351 : vector<1x512xf32> to vector<256x512xf32>
      %add3A_760 = arith.addf %mul3A_758, %add3A_759 : vector<256x512xf32>
      %max3A_761 = arith.constant 0.000000e+00 : f32
      %max3A_762 = vector.broadcast %max3A_761 : f32 to vector<256x512xf32>
      %max3A_763 = arith.maximumf %add3A_760, %max3A_762 : vector<256x512xf32>
      %dot_general3A_764 = arith.constant dense<0.000000e+00> : vector<256x1024xf32>
      %dot_general3A_765 = tpu.matmul %max3A_763, %get3A_354, %dot_general3A_764 {dimension_numbers = #tpu.dot_dimension_numbers<[1], [0], [0], [1], [0, 0, 1, 1], [], []>, transpose_lhs_hint = false} : vector<256x512xf32>, vector<512x1024xf32>, vector<256x1024xf32> -> vector<256x1024xf32>
      %iota3A_766 = tpu.iota {dimensions = array<i32: 0>} : vector<256x1xi32>
      %add3A_767 = arith.constant 512 : i32
      %add3A_768 = vector.broadcast %add3A_767 : i32 to vector<256x1xi32>
      %add3A_769 = arith.addi %add3A_768, %iota3A_766 : vector<256x1xi32>
      %lt3A_770 = vector.broadcast %min3A_691 : i32 to vector<256x1xi32>
      %lt3A_771 = arith.cmpi slt, %add3A_769, %lt3A_770 : vector<256x1xi32>
      %jit3A_772 = arith.constant 0xFF800000 : f32
      %broadcast_in_dim3A_773 = vector.shape_cast %lt3A_771 : vector<256x1xi1> to vector<256x1xi1>
      %broadcast_in_dim3A_774 = vector.broadcast %broadcast_in_dim3A_773 : vector<256x1xi1> to vector<256x1024xi1>
      %broadcast_in_dim3A_775 = vector.broadcast %jit3A_772 : f32 to vector<256x1024xf32>
      %select_n3A_776 = arith.select %broadcast_in_dim3A_774, %dot_general3A_765, %broadcast_in_dim3A_775 : vector<256x1024xi1>, vector<256x1024xf32>
      %reduce_max3A_777 = arith.constant dense<0xFF800000> : vector<1024xf32>
      %reduce_max3A_778 = vector.multi_reduction <maximumf>, %select_n3A_776, %reduce_max3A_777 [0] : vector<256x1024xf32> to vector<1024xf32>
      %broadcast_in_dim3A_779 = vector.shape_cast %reduce_max3A_778 : vector<1024xf32> to vector<1x1024xf32>
      %max3A_780 = arith.maximumf %max3A_751, %broadcast_in_dim3A_779 : vector<1x1024xf32>
      %get3A_781 = arith.constant 2 : index
      %get3A_782 = arith.constant 768 : index
      %get3A_783 = arith.constant 0 : index
      %get3A_784 = vector.load %arg14[%get3A_781, %get3A_782, %get3A_783] : memref<4x1280x512xf32, #tpu.memory_space<vmem>>, vector<1x256x512xf32>
      %get3A_785 = vector.shape_cast %get3A_784 : vector<1x256x512xf32> to vector<256x512xf32>
      %mul3A_786 = vector.broadcast %mul3A_346 : vector<1x512xf32> to vector<256x512xf32>
      %mul3A_787 = arith.mulf %get3A_785, %mul3A_786 : vector<256x512xf32>
      %add3A_788 = vector.broadcast %sub3A_351 : vector<1x512xf32> to vector<256x512xf32>
      %add3A_789 = arith.addf %mul3A_787, %add3A_788 : vector<256x512xf32>
      %max3A_790 = arith.constant 0.000000e+00 : f32
      %max3A_791 = vector.broadcast %max3A_790 : f32 to vector<256x512xf32>
      %max3A_792 = arith.maximumf %add3A_789, %max3A_791 : vector<256x512xf32>
      %dot_general3A_793 = arith.constant dense<0.000000e+00> : vector<256x1024xf32>
      %dot_general3A_794 = tpu.matmul %max3A_792, %get3A_354, %dot_general3A_793 {dimension_numbers = #tpu.dot_dimension_numbers<[1], [0], [0], [1], [0, 0, 1, 1], [], []>, transpose_lhs_hint = false} : vector<256x512xf32>, vector<512x1024xf32>, vector<256x1024xf32> -> vector<256x1024xf32>
      %iota3A_795 = tpu.iota {dimensions = array<i32: 0>} : vector<256x1xi32>
      %add3A_796 = arith.constant 768 : i32
      %add3A_797 = vector.broadcast %add3A_796 : i32 to vector<256x1xi32>
      %add3A_798 = arith.addi %add3A_797, %iota3A_795 : vector<256x1xi32>
      %lt3A_799 = vector.broadcast %min3A_691 : i32 to vector<256x1xi32>
      %lt3A_800 = arith.cmpi slt, %add3A_798, %lt3A_799 : vector<256x1xi32>
      %jit3A_801 = arith.constant 0xFF800000 : f32
      %broadcast_in_dim3A_802 = vector.shape_cast %lt3A_800 : vector<256x1xi1> to vector<256x1xi1>
      %broadcast_in_dim3A_803 = vector.broadcast %broadcast_in_dim3A_802 : vector<256x1xi1> to vector<256x1024xi1>
      %broadcast_in_dim3A_804 = vector.broadcast %jit3A_801 : f32 to vector<256x1024xf32>
      %select_n3A_805 = arith.select %broadcast_in_dim3A_803, %dot_general3A_794, %broadcast_in_dim3A_804 : vector<256x1024xi1>, vector<256x1024xf32>
      %reduce_max3A_806 = arith.constant dense<0xFF800000> : vector<1024xf32>
      %reduce_max3A_807 = vector.multi_reduction <maximumf>, %select_n3A_805, %reduce_max3A_806 [0] : vector<256x1024xf32> to vector<1024xf32>
      %broadcast_in_dim3A_808 = vector.shape_cast %reduce_max3A_807 : vector<1024xf32> to vector<1x1024xf32>
      %max3A_809 = arith.maximumf %max3A_780, %broadcast_in_dim3A_808 : vector<1x1024xf32>
      %get3A_810 = arith.constant 2 : index
      %get3A_811 = arith.constant 1024 : index
      %get3A_812 = arith.constant 0 : index
      %get3A_813 = vector.load %arg14[%get3A_810, %get3A_811, %get3A_812] : memref<4x1280x512xf32, #tpu.memory_space<vmem>>, vector<1x256x512xf32>
      %get3A_814 = vector.shape_cast %get3A_813 : vector<1x256x512xf32> to vector<256x512xf32>
      %mul3A_815 = vector.broadcast %mul3A_346 : vector<1x512xf32> to vector<256x512xf32>
      %mul3A_816 = arith.mulf %get3A_814, %mul3A_815 : vector<256x512xf32>
      %add3A_817 = vector.broadcast %sub3A_351 : vector<1x512xf32> to vector<256x512xf32>
      %add3A_818 = arith.addf %mul3A_816, %add3A_817 : vector<256x512xf32>
      %max3A_819 = arith.constant 0.000000e+00 : f32
      %max3A_820 = vector.broadcast %max3A_819 : f32 to vector<256x512xf32>
      %max3A_821 = arith.maximumf %add3A_818, %max3A_820 : vector<256x512xf32>
      %dot_general3A_822 = arith.constant dense<0.000000e+00> : vector<256x1024xf32>
      %dot_general3A_823 = tpu.matmul %max3A_821, %get3A_354, %dot_general3A_822 {dimension_numbers = #tpu.dot_dimension_numbers<[1], [0], [0], [1], [0, 0, 1, 1], [], []>, transpose_lhs_hint = false} : vector<256x512xf32>, vector<512x1024xf32>, vector<256x1024xf32> -> vector<256x1024xf32>
      %iota3A_824 = tpu.iota {dimensions = array<i32: 0>} : vector<256x1xi32>
      %add3A_825 = arith.constant 1024 : i32
      %add3A_826 = vector.broadcast %add3A_825 : i32 to vector<256x1xi32>
      %add3A_827 = arith.addi %add3A_826, %iota3A_824 : vector<256x1xi32>
      %lt3A_828 = vector.broadcast %min3A_691 : i32 to vector<256x1xi32>
      %lt3A_829 = arith.cmpi slt, %add3A_827, %lt3A_828 : vector<256x1xi32>
      %jit3A_830 = arith.constant 0xFF800000 : f32
      %broadcast_in_dim3A_831 = vector.shape_cast %lt3A_829 : vector<256x1xi1> to vector<256x1xi1>
      %broadcast_in_dim3A_832 = vector.broadcast %broadcast_in_dim3A_831 : vector<256x1xi1> to vector<256x1024xi1>
      %broadcast_in_dim3A_833 = vector.broadcast %jit3A_830 : f32 to vector<256x1024xf32>
      %select_n3A_834 = arith.select %broadcast_in_dim3A_832, %dot_general3A_823, %broadcast_in_dim3A_833 : vector<256x1024xi1>, vector<256x1024xf32>
      %reduce_max3A_835 = arith.constant dense<0xFF800000> : vector<1024xf32>
      %reduce_max3A_836 = vector.multi_reduction <maximumf>, %select_n3A_834, %reduce_max3A_835 [0] : vector<256x1024xf32> to vector<1024xf32>
      %broadcast_in_dim3A_837 = vector.shape_cast %reduce_max3A_836 : vector<1024xf32> to vector<1x1024xf32>
      %max3A_838 = arith.maximumf %max3A_809, %broadcast_in_dim3A_837 : vector<1x1024xf32>
      %add3A_839 = arith.addf %max3A_838, %reshape3A_357 : vector<1x1024xf32>
      %swap3A_840 = arith.constant 2 : index
      %swap3A_841 = arith.constant 0 : index
      %swap3A_842 = vector.load %arg13[%swap3A_840, %swap3A_841] : memref<4x1024xf32, #tpu.memory_space<vmem>>, vector<1x1024xf32>
      tpu.vector_store %arg13[%swap3A_840, %swap3A_841], %add3A_839 {strides = array<i32>} : memref<4x1024xf32, #tpu.memory_space<vmem>>, vector<1x1024xf32>,
      %get3A_843 = arith.constant 2 : index
      %get3A_844 = arith.constant 0 : index
      %get3A_845 = vector.load %arg12[%get3A_843, %get3A_844] : memref<4x1024xf32, #tpu.memory_space<vmem>>, vector<1x1024xf32>
      %add3A_846 = arith.addf %get3A_845, %add3A_839 : vector<1x1024xf32>
      %swap3A_847 = arith.constant 2 : index
      %swap3A_848 = arith.constant 0 : index
      %swap3A_849 = vector.load %arg12[%swap3A_847, %swap3A_848] : memref<4x1024xf32, #tpu.memory_space<vmem>>, vector<1x1024xf32>
      tpu.vector_store %arg12[%swap3A_847, %swap3A_848], %add3A_846 {strides = array<i32>} : memref<4x1024xf32, #tpu.memory_space<vmem>>, vector<1x1024xf32>,
      %get3A_850 = arith.constant 3 : index
      %get3A_851 = arith.constant 1 : index
      %get3A_852 = memref.load %arg1[%get3A_850, %get3A_851] : memref<8x128xi32, #tpu.memory_space<smem>>
      %sub3A_853 = arith.constant 2 : i32
      %sub3A_854 = arith.subi %get3A_852, %sub3A_853 : i32
      %min3A_855 = arith.constant 1228 : i32
      %min3A_856 = arith.minsi %sub3A_854, %min3A_855 : i32
      %broadcast_in_dim3A_857 = arith.constant 0xFF800000 : f32
      %broadcast_in_dim3A_858 = vector.broadcast %broadcast_in_dim3A_857 : f32 to vector<1x1024xf32>
      %get3A_859 = arith.constant 3 : index
      %get3A_860 = arith.constant 0 : index
      %get3A_861 = arith.constant 0 : index
      %get3A_862 = vector.load %arg14[%get3A_859, %get3A_860, %get3A_861] : memref<4x1280x512xf32, #tpu.memory_space<vmem>>, vector<1x256x512xf32>
      %get3A_863 = vector.shape_cast %get3A_862 : vector<1x256x512xf32> to vector<256x512xf32>
      %mul3A_864 = vector.broadcast %mul3A_346 : vector<1x512xf32> to vector<256x512xf32>
      %mul3A_865 = arith.mulf %get3A_863, %mul3A_864 : vector<256x512xf32>
      %add3A_866 = vector.broadcast %sub3A_351 : vector<1x512xf32> to vector<256x512xf32>
      %add3A_867 = arith.addf %mul3A_865, %add3A_866 : vector<256x512xf32>
      %max3A_868 = arith.constant 0.000000e+00 : f32
      %max3A_869 = vector.broadcast %max3A_868 : f32 to vector<256x512xf32>
      %max3A_870 = arith.maximumf %add3A_867, %max3A_869 : vector<256x512xf32>
      %dot_general3A_871 = arith.constant dense<0.000000e+00> : vector<256x1024xf32>
      %dot_general3A_872 = tpu.matmul %max3A_870, %get3A_354, %dot_general3A_871 {dimension_numbers = #tpu.dot_dimension_numbers<[1], [0], [0], [1], [0, 0, 1, 1], [], []>, transpose_lhs_hint = false} : vector<256x512xf32>, vector<512x1024xf32>, vector<256x1024xf32> -> vector<256x1024xf32>
      %iota3A_873 = tpu.iota {dimensions = array<i32: 0>} : vector<256x1xi32>
      %add3A_874 = arith.constant 0 : i32
      %add3A_875 = vector.broadcast %add3A_874 : i32 to vector<256x1xi32>
      %add3A_876 = arith.addi %add3A_875, %iota3A_873 : vector<256x1xi32>
      %lt3A_877 = vector.broadcast %min3A_856 : i32 to vector<256x1xi32>
      %lt3A_878 = arith.cmpi slt, %add3A_876, %lt3A_877 : vector<256x1xi32>
      %jit3A_879 = arith.constant 0xFF800000 : f32
      %broadcast_in_dim3A_880 = vector.shape_cast %lt3A_878 : vector<256x1xi1> to vector<256x1xi1>
      %broadcast_in_dim3A_881 = vector.broadcast %broadcast_in_dim3A_880 : vector<256x1xi1> to vector<256x1024xi1>
      %broadcast_in_dim3A_882 = vector.broadcast %jit3A_879 : f32 to vector<256x1024xf32>
      %select_n3A_883 = arith.select %broadcast_in_dim3A_881, %dot_general3A_872, %broadcast_in_dim3A_882 : vector<256x1024xi1>, vector<256x1024xf32>
      %reduce_max3A_884 = arith.constant dense<0xFF800000> : vector<1024xf32>
      %reduce_max3A_885 = vector.multi_reduction <maximumf>, %select_n3A_883, %reduce_max3A_884 [0] : vector<256x1024xf32> to vector<1024xf32>
      %broadcast_in_dim3A_886 = vector.shape_cast %reduce_max3A_885 : vector<1024xf32> to vector<1x1024xf32>
      %max3A_887 = arith.maximumf %broadcast_in_dim3A_858, %broadcast_in_dim3A_886 : vector<1x1024xf32>
      %get3A_888 = arith.constant 3 : index
      %get3A_889 = arith.constant 256 : index
      %get3A_890 = arith.constant 0 : index
      %get3A_891 = vector.load %arg14[%get3A_888, %get3A_889, %get3A_890] : memref<4x1280x512xf32, #tpu.memory_space<vmem>>, vector<1x256x512xf32>
      %get3A_892 = vector.shape_cast %get3A_891 : vector<1x256x512xf32> to vector<256x512xf32>
      %mul3A_893 = vector.broadcast %mul3A_346 : vector<1x512xf32> to vector<256x512xf32>
      %mul3A_894 = arith.mulf %get3A_892, %mul3A_893 : vector<256x512xf32>
      %add3A_895 = vector.broadcast %sub3A_351 : vector<1x512xf32> to vector<256x512xf32>
      %add3A_896 = arith.addf %mul3A_894, %add3A_895 : vector<256x512xf32>
      %max3A_897 = arith.constant 0.000000e+00 : f32
      %max3A_898 = vector.broadcast %max3A_897 : f32 to vector<256x512xf32>
      %max3A_899 = arith.maximumf %add3A_896, %max3A_898 : vector<256x512xf32>
      %dot_general3A_900 = arith.constant dense<0.000000e+00> : vector<256x1024xf32>
      %dot_general3A_901 = tpu.matmul %max3A_899, %get3A_354, %dot_general3A_900 {dimension_numbers = #tpu.dot_dimension_numbers<[1], [0], [0], [1], [0, 0, 1, 1], [], []>, transpose_lhs_hint = false} : vector<256x512xf32>, vector<512x1024xf32>, vector<256x1024xf32> -> vector<256x1024xf32>
      %iota3A_902 = tpu.iota {dimensions = array<i32: 0>} : vector<256x1xi32>
      %add3A_903 = arith.constant 256 : i32
      %add3A_904 = vector.broadcast %add3A_903 : i32 to vector<256x1xi32>
      %add3A_905 = arith.addi %add3A_904, %iota3A_902 : vector<256x1xi32>
      %lt3A_906 = vector.broadcast %min3A_856 : i32 to vector<256x1xi32>
      %lt3A_907 = arith.cmpi slt, %add3A_905, %lt3A_906 : vector<256x1xi32>
      %jit3A_908 = arith.constant 0xFF800000 : f32
      %broadcast_in_dim3A_909 = vector.shape_cast %lt3A_907 : vector<256x1xi1> to vector<256x1xi1>
      %broadcast_in_dim3A_910 = vector.broadcast %broadcast_in_dim3A_909 : vector<256x1xi1> to vector<256x1024xi1>
      %broadcast_in_dim3A_911 = vector.broadcast %jit3A_908 : f32 to vector<256x1024xf32>
      %select_n3A_912 = arith.select %broadcast_in_dim3A_910, %dot_general3A_901, %broadcast_in_dim3A_911 : vector<256x1024xi1>, vector<256x1024xf32>
      %reduce_max3A_913 = arith.constant dense<0xFF800000> : vector<1024xf32>
      %reduce_max3A_914 = vector.multi_reduction <maximumf>, %select_n3A_912, %reduce_max3A_913 [0] : vector<256x1024xf32> to vector<1024xf32>
      %broadcast_in_dim3A_915 = vector.shape_cast %reduce_max3A_914 : vector<1024xf32> to vector<1x1024xf32>
      %max3A_916 = arith.maximumf %max3A_887, %broadcast_in_dim3A_915 : vector<1x1024xf32>
      %get3A_917 = arith.constant 3 : index
      %get3A_918 = arith.constant 512 : index
      %get3A_919 = arith.constant 0 : index
      %get3A_920 = vector.load %arg14[%get3A_917, %get3A_918, %get3A_919] : memref<4x1280x512xf32, #tpu.memory_space<vmem>>, vector<1x256x512xf32>
      %get3A_921 = vector.shape_cast %get3A_920 : vector<1x256x512xf32> to vector<256x512xf32>
      %mul3A_922 = vector.broadcast %mul3A_346 : vector<1x512xf32> to vector<256x512xf32>
      %mul3A_923 = arith.mulf %get3A_921, %mul3A_922 : vector<256x512xf32>
      %add3A_924 = vector.broadcast %sub3A_351 : vector<1x512xf32> to vector<256x512xf32>
      %add3A_925 = arith.addf %mul3A_923, %add3A_924 : vector<256x512xf32>
      %max3A_926 = arith.constant 0.000000e+00 : f32
      %max3A_927 = vector.broadcast %max3A_926 : f32 to vector<256x512xf32>
      %max3A_928 = arith.maximumf %add3A_925, %max3A_927 : vector<256x512xf32>
      %dot_general3A_929 = arith.constant dense<0.000000e+00> : vector<256x1024xf32>
      %dot_general3A_930 = tpu.matmul %max3A_928, %get3A_354, %dot_general3A_929 {dimension_numbers = #tpu.dot_dimension_numbers<[1], [0], [0], [1], [0, 0, 1, 1], [], []>, transpose_lhs_hint = false} : vector<256x512xf32>, vector<512x1024xf32>, vector<256x1024xf32> -> vector<256x1024xf32>
      %iota3A_931 = tpu.iota {dimensions = array<i32: 0>} : vector<256x1xi32>
      %add3A_932 = arith.constant 512 : i32
      %add3A_933 = vector.broadcast %add3A_932 : i32 to vector<256x1xi32>
      %add3A_934 = arith.addi %add3A_933, %iota3A_931 : vector<256x1xi32>
      %lt3A_935 = vector.broadcast %min3A_856 : i32 to vector<256x1xi32>
      %lt3A_936 = arith.cmpi slt, %add3A_934, %lt3A_935 : vector<256x1xi32>
      %jit3A_937 = arith.constant 0xFF800000 : f32
      %broadcast_in_dim3A_938 = vector.shape_cast %lt3A_936 : vector<256x1xi1> to vector<256x1xi1>
      %broadcast_in_dim3A_939 = vector.broadcast %broadcast_in_dim3A_938 : vector<256x1xi1> to vector<256x1024xi1>
      %broadcast_in_dim3A_940 = vector.broadcast %jit3A_937 : f32 to vector<256x1024xf32>
      %select_n3A_941 = arith.select %broadcast_in_dim3A_939, %dot_general3A_930, %broadcast_in_dim3A_940 : vector<256x1024xi1>, vector<256x1024xf32>
      %reduce_max3A_942 = arith.constant dense<0xFF800000> : vector<1024xf32>
      %reduce_max3A_943 = vector.multi_reduction <maximumf>, %select_n3A_941, %reduce_max3A_942 [0] : vector<256x1024xf32> to vector<1024xf32>
      %broadcast_in_dim3A_944 = vector.shape_cast %reduce_max3A_943 : vector<1024xf32> to vector<1x1024xf32>
      %max3A_945 = arith.maximumf %max3A_916, %broadcast_in_dim3A_944 : vector<1x1024xf32>
      %get3A_946 = arith.constant 3 : index
      %get3A_947 = arith.constant 768 : index
      %get3A_948 = arith.constant 0 : index
      %get3A_949 = vector.load %arg14[%get3A_946, %get3A_947, %get3A_948] : memref<4x1280x512xf32, #tpu.memory_space<vmem>>, vector<1x256x512xf32>
      %get3A_950 = vector.shape_cast %get3A_949 : vector<1x256x512xf32> to vector<256x512xf32>
      %mul3A_951 = vector.broadcast %mul3A_346 : vector<1x512xf32> to vector<256x512xf32>
      %mul3A_952 = arith.mulf %get3A_950, %mul3A_951 : vector<256x512xf32>
      %add3A_953 = vector.broadcast %sub3A_351 : vector<1x512xf32> to vector<256x512xf32>
      %add3A_954 = arith.addf %mul3A_952, %add3A_953 : vector<256x512xf32>
      %max3A_955 = arith.constant 0.000000e+00 : f32
      %max3A_956 = vector.broadcast %max3A_955 : f32 to vector<256x512xf32>
      %max3A_957 = arith.maximumf %add3A_954, %max3A_956 : vector<256x512xf32>
      %dot_general3A_958 = arith.constant dense<0.000000e+00> : vector<256x1024xf32>
      %dot_general3A_959 = tpu.matmul %max3A_957, %get3A_354, %dot_general3A_958 {dimension_numbers = #tpu.dot_dimension_numbers<[1], [0], [0], [1], [0, 0, 1, 1], [], []>, transpose_lhs_hint = false} : vector<256x512xf32>, vector<512x1024xf32>, vector<256x1024xf32> -> vector<256x1024xf32>
      %iota3A_960 = tpu.iota {dimensions = array<i32: 0>} : vector<256x1xi32>
      %add3A_961 = arith.constant 768 : i32
      %add3A_962 = vector.broadcast %add3A_961 : i32 to vector<256x1xi32>
      %add3A_963 = arith.addi %add3A_962, %iota3A_960 : vector<256x1xi32>
      %lt3A_964 = vector.broadcast %min3A_856 : i32 to vector<256x1xi32>
      %lt3A_965 = arith.cmpi slt, %add3A_963, %lt3A_964 : vector<256x1xi32>
      %jit3A_966 = arith.constant 0xFF800000 : f32
      %broadcast_in_dim3A_967 = vector.shape_cast %lt3A_965 : vector<256x1xi1> to vector<256x1xi1>
      %broadcast_in_dim3A_968 = vector.broadcast %broadcast_in_dim3A_967 : vector<256x1xi1> to vector<256x1024xi1>
      %broadcast_in_dim3A_969 = vector.broadcast %jit3A_966 : f32 to vector<256x1024xf32>
      %select_n3A_970 = arith.select %broadcast_in_dim3A_968, %dot_general3A_959, %broadcast_in_dim3A_969 : vector<256x1024xi1>, vector<256x1024xf32>
      %reduce_max3A_971 = arith.constant dense<0xFF800000> : vector<1024xf32>
      %reduce_max3A_972 = vector.multi_reduction <maximumf>, %select_n3A_970, %reduce_max3A_971 [0] : vector<256x1024xf32> to vector<1024xf32>
      %broadcast_in_dim3A_973 = vector.shape_cast %reduce_max3A_972 : vector<1024xf32> to vector<1x1024xf32>
      %max3A_974 = arith.maximumf %max3A_945, %broadcast_in_dim3A_973 : vector<1x1024xf32>
      %get3A_975 = arith.constant 3 : index
      %get3A_976 = arith.constant 1024 : index
      %get3A_977 = arith.constant 0 : index
      %get3A_978 = vector.load %arg14[%get3A_975, %get3A_976, %get3A_977] : memref<4x1280x512xf32, #tpu.memory_space<vmem>>, vector<1x256x512xf32>
      %get3A_979 = vector.shape_cast %get3A_978 : vector<1x256x512xf32> to vector<256x512xf32>
      %mul3A_980 = vector.broadcast %mul3A_346 : vector<1x512xf32> to vector<256x512xf32>
      %mul3A_981 = arith.mulf %get3A_979, %mul3A_980 : vector<256x512xf32>
      %add3A_982 = vector.broadcast %sub3A_351 : vector<1x512xf32> to vector<256x512xf32>
      %add3A_983 = arith.addf %mul3A_981, %add3A_982 : vector<256x512xf32>
      %max3A_984 = arith.constant 0.000000e+00 : f32
      %max3A_985 = vector.broadcast %max3A_984 : f32 to vector<256x512xf32>
      %max3A_986 = arith.maximumf %add3A_983, %max3A_985 : vector<256x512xf32>
      %dot_general3A_987 = arith.constant dense<0.000000e+00> : vector<256x1024xf32>
      %dot_general3A_988 = tpu.matmul %max3A_986, %get3A_354, %dot_general3A_987 {dimension_numbers = #tpu.dot_dimension_numbers<[1], [0], [0], [1], [0, 0, 1, 1], [], []>, transpose_lhs_hint = false} : vector<256x512xf32>, vector<512x1024xf32>, vector<256x1024xf32> -> vector<256x1024xf32>
      %iota3A_989 = tpu.iota {dimensions = array<i32: 0>} : vector<256x1xi32>
      %add3A_990 = arith.constant 1024 : i32
      %add3A_991 = vector.broadcast %add3A_990 : i32 to vector<256x1xi32>
      %add3A_992 = arith.addi %add3A_991, %iota3A_989 : vector<256x1xi32>
      %lt3A_993 = vector.broadcast %min3A_856 : i32 to vector<256x1xi32>
      %lt3A_994 = arith.cmpi slt, %add3A_992, %lt3A_993 : vector<256x1xi32>
      %jit3A_995 = arith.constant 0xFF800000 : f32
      %broadcast_in_dim3A_996 = vector.shape_cast %lt3A_994 : vector<256x1xi1> to vector<256x1xi1>
      %broadcast_in_dim3A_997 = vector.broadcast %broadcast_in_dim3A_996 : vector<256x1xi1> to vector<256x1024xi1>
      %broadcast_in_dim3A_998 = vector.broadcast %jit3A_995 : f32 to vector<256x1024xf32>
      %select_n3A_999 = arith.select %broadcast_in_dim3A_997, %dot_general3A_988, %broadcast_in_dim3A_998 : vector<256x1024xi1>, vector<256x1024xf32>
      %reduce_max3A_1000 = arith.constant dense<0xFF800000> : vector<1024xf32>
      %reduce_max3A_1001 = vector.multi_reduction <maximumf>, %select_n3A_999, %reduce_max3A_1000 [0] : vector<256x1024xf32> to vector<1024xf32>
      %broadcast_in_dim3A_1002 = vector.shape_cast %reduce_max3A_1001 : vector<1024xf32> to vector<1x1024xf32>
      %max3A_1003 = arith.maximumf %max3A_974, %broadcast_in_dim3A_1002 : vector<1x1024xf32>
      %add3A_1004 = arith.addf %max3A_1003, %reshape3A_357 : vector<1x1024xf32>
      %swap3A_1005 = arith.constant 3 : index
      %swap3A_1006 = arith.constant 0 : index
      %swap3A_1007 = vector.load %arg13[%swap3A_1005, %swap3A_1006] : memref<4x1024xf32, #tpu.memory_space<vmem>>, vector<1x1024xf32>
      tpu.vector_store %arg13[%swap3A_1005, %swap3A_1006], %add3A_1004 {strides = array<i32>} : memref<4x1024xf32, #tpu.memory_space<vmem>>, vector<1x1024xf32>,
      %get3A_1008 = arith.constant 3 : index
      %get3A_1009 = arith.constant 0 : index
      %get3A_1010 = vector.load %arg12[%get3A_1008, %get3A_1009] : memref<4x1024xf32, #tpu.memory_space<vmem>>, vector<1x1024xf32>
      %add3A_1011 = arith.addf %get3A_1010, %add3A_1004 : vector<1x1024xf32>
      %swap3A_1012 = arith.constant 3 : index
      %swap3A_1013 = arith.constant 0 : index
      %swap3A_1014 = vector.load %arg12[%swap3A_1012, %swap3A_1013] : memref<4x1024xf32, #tpu.memory_space<vmem>>, vector<1x1024xf32>
      tpu.vector_store %arg12[%swap3A_1012, %swap3A_1013], %add3A_1011 {strides = array<i32>} : memref<4x1024xf32, #tpu.memory_space<vmem>>, vector<1x1024xf32>,
    } else {
    }
    return
  }
  func.func @transform_0(%arg0: i32, %arg1: memref<8x128xi32, #tpu.memory_space<smem>>) -> (i32, i32, i32) {
    %c0_i32 = arith.constant 0 : i32
    %c0_i32_0 = arith.constant 0 : i32
    %c0_i32_1 = arith.constant 0 : i32
    return %arg0, %c0_i32, %c0_i32_0 : i32, i32, i32
  }
  func.func @transform_1(%arg0: i32, %arg1: memref<8x128xi32, #tpu.memory_space<smem>>) -> (i32, i32, i32) {
    %get3A = arith.index_cast %arg0 : i32 to index
    %get3A_0 = arith.constant 0 : index
    %get3A_1 = memref.load %arg1[%get3A, %get3A_0] : memref<8x128xi32, #tpu.memory_space<smem>>
    %jit3A = arith.constant 8 : i32
    %div3A = arith.divsi %get3A_1, %jit3A : i32
    %sign3A = arith.constant 0 : i32
    %sign3A_2 = arith.cmpi sgt, %get3A_1, %sign3A : i32
    %sign3A_3 = arith.extui %sign3A_2 : i1 to i32
    %sign3A_4 = arith.constant 0 : i32
    %sign3A_5 = arith.cmpi slt, %get3A_1, %sign3A_4 : i32
    %sign3A_6 = arith.extui %sign3A_5 : i1 to i32
    %sign3A_7 = arith.subi %sign3A_3, %sign3A_6 : i32
    %sign3A_8 = arith.constant 0 : i32
    %sign3A_9 = arith.cmpi sgt, %jit3A, %sign3A_8 : i32
    %sign3A_10 = arith.extui %sign3A_9 : i1 to i32
    %sign3A_11 = arith.constant 0 : i32
    %sign3A_12 = arith.cmpi slt, %jit3A, %sign3A_11 : i32
    %sign3A_13 = arith.extui %sign3A_12 : i1 to i32
    %sign3A_14 = arith.subi %sign3A_10, %sign3A_13 : i32
    %ne3A = arith.cmpi ne, %sign3A_7, %sign3A_14 : i32
    %rem3A = arith.remsi %get3A_1, %jit3A : i32
    %ne3A_15 = arith.constant 0 : i32
    %ne3A_16 = arith.cmpi ne, %rem3A, %ne3A_15 : i32
    %and3A = arith.andi %ne3A, %ne3A_16 : i1
    %sub3A = arith.constant 1 : i32
    %sub3A_17 = arith.subi %div3A, %sub3A : i32
    %select_n3A = arith.select %and3A, %sub3A_17, %div3A : i32
    %c0_i32 = arith.constant 0 : i32
    %c0_i32_18 = arith.constant 0 : i32
    return %arg0, %select_n3A, %c0_i32 : i32, i32, i32
  }
  func.func @transform_2(%arg0: i32, %arg1: memref<8x128xi32, #tpu.memory_space<smem>>) -> (i32, i32) {
    %c0_i32 = arith.constant 0 : i32
    %c0_i32_0 = arith.constant 0 : i32
    %c0_i32_1 = arith.constant 0 : i32
    return %c0_i32, %c0_i32_0 : i32, i32
  }
  func.func @transform_3(%arg0: i32, %arg1: memref<8x128xi32, #tpu.memory_space<smem>>) -> i32 {
    %c0_i32 = arith.constant 0 : i32
    %c0_i32_0 = arith.constant 0 : i32
    return %c0_i32 : i32
  }
  func.func @transform_4(%arg0: i32, %arg1: memref<8x128xi32, #tpu.memory_space<smem>>) -> i32 {
    %c0_i32 = arith.constant 0 : i32
    %c0_i32_0 = arith.constant 0 : i32
    return %c0_i32 : i32
  }
  func.func @transform_5(%arg0: i32, %arg1: memref<8x128xi32, #tpu.memory_space<smem>>) -> i32 {
    %c0_i32 = arith.constant 0 : i32
    %c0_i32_0 = arith.constant 0 : i32
    return %c0_i32 : i32
  }
  func.func @transform_6(%arg0: i32, %arg1: memref<8x128xi32, #tpu.memory_space<smem>>) -> (i32, i32) {
    %c0_i32 = arith.constant 0 : i32
    %c0_i32_0 = arith.constant 0 : i32
    %c0_i32_1 = arith.constant 0 : i32
    return %c0_i32, %c0_i32_0 : i32, i32
  }
  func.func @transform_7(%arg0: i32, %arg1: memref<8x128xi32, #tpu.memory_space<smem>>) -> i32 {
    %c0_i32 = arith.constant 0 : i32
    %c0_i32_0 = arith.constant 0 : i32
    return %c0_i32 : i32
  }
  func.func @transform_8(%arg0: i32, %arg1: memref<8x128xi32, #tpu.memory_space<smem>>) -> (i32, i32) {
    %c0_i32 = arith.constant 0 : i32
    %c0_i32_0 = arith.constant 0 : i32
    %c0_i32_1 = arith.constant 0 : i32
    return %c0_i32, %c0_i32_0 : i32, i32
  }
  func.func @transform_9(%arg0: i32, %arg1: memref<8x128xi32, #tpu.memory_space<smem>>) -> i32 {
    %c0_i32 = arith.constant 0 : i32
    %c0_i32_0 = arith.constant 0 : i32
    return %c0_i32 : i32
  }
  func.func @transform_10(%arg0: i32, %arg1: memref<8x128xi32, #tpu.memory_space<smem>>) -> (i32, i32) {
    %c0_i32 = arith.constant 0 : i32
    %c0_i32_0 = arith.constant 0 : i32
    %c0_i32_1 = arith.constant 0 : i32
    return %c0_i32, %c0_i32_0 : i32, i32
  }
  func.func @transform_11(%arg0: i32, %arg1: memref<8x128xi32, #tpu.memory_space<smem>>) -> (i32, i32) {
    %c0_i32 = arith.constant 0 : i32
    %c0_i32_0 = arith.constant 0 : i32
    %c0_i32_1 = arith.constant 0 : i32
    return %c0_i32, %c0_i32_0 : i32, i32
  }
}

</mosaic_0001>

<sc_bundles>
// kernel: kernel.6.cloned.1.call-start
scs
__scs_entry_jumppad:
0x0: {  	(pc) =	sbr.rel $0x88, $3  }
0x1: {  	(tag) =	ssettag $0x0;
	lr =	simm.s32 $0x1  }
0x2: {  	[smem:$0x3F96] =	sst lr;
	_ =	strace $0xD0000000  }
0x3: {  	_ = 	snop  }
0x4: {  	_ = 	snop  }
0x5: {  	_ = 	snop  }
0x6: {  	_ = 	snop  }
0x7: {  	_ = 	snop  }
__scs_overlays_trampoline_lowered:
0x8: {  	[smem:$0x3FA5] =	sst s0  }
0x9: {  	[smem:$0x3FA6] =	sst s1  }
0xa: {  	[smem:$0x3FA7] =	sst s2  }
0xb: {  	[smem:$0x3FA8] =	sst s3  }
0xc: {  	[smem:$0x3FA9] =	sst s4  }
0xd: {  	[smem:$0x3FAA] =	sst s5  }
0xe: {  	[smem:$0x3FAB] =	sst s6  }
0xf: {  	[smem:$0x3FAC] =	sst s7  }
0x10: {  	[smem:$0x3FAD] =	sst s8  }
0x11: {  	[smem:$0x3FAE] =	sst s9;
	s0 =	simm.s32 @!p0 $0x0  }
0x12: {  	s1 =	sld [smem:$0x3F94];
	s0 =	simm.s32 @p0 $0x1  }
0x13: {  	[smem:$0x3FAF] =	sst s0;
	s0 =	simm.s32 @!p1 $0x0  }
0x14: {  	s2 =	sld [smem:$0x3F93];
	s0 =	simm.s32 @p1 $0x1  }
0x15: {  	[smem:$0x3FB0] =	sst s0;
	s0 =	simm.s32 @!p2 $0x0  }
0x16: {  	s3 =	sld [smem:$0x3FDB];
	s0 =	simm.s32 @p2 $0x1  }
0x17: {  	s4 =	simm.s32 $0x1BF5;
	[smem:$0x3FB2] =	sst s0  }
0x18: {  	s0 =	sld [smem:$0x3F95];
	_ =	swait.ge [sflag:s4], $0x0  }
0x19: {  	s7 =	sld [smem:$0x3F96]  }
0x1a: {  	s8 =	sadd.s32 $0xFFFFE003, lr  }
0x1b: {  	s9 =	sadd.s32 $0xFFFFFEF7, lr;
	s5 =	simm.s32 $0xFFFFFFFF;
	p2 =	slt.u32 s8, $0xFFFFF086  }
0x1c: {  	p1 =	slt.u32 s9, $0xF7A;
	s5 =	simm.s32 @!p2 $0x0  }
0x1d: {  	s5 =	simm.s32 @p1 $0x1;
	p0 =	seq.s32 s7, s2  }
0x1e: {  	s7 =	smul.u32 @!p0 $0xF7A, s2;
	p2 =	seq.s32 @!p0 s5, $0x0  }
0x1f: {  	s9 =	smul.u32 $0xF7A, s1;
	s8 =	simm.s32 @!p0 $0x1BF5;
	p2 =	por !p2, p0  }
0x20: {  	[sflag:s8] =	ssyncset.s32 @!p0 $0xFFFFF086;
	s6 =	sadd.s32 @!p0 s3, s7;
	s7 =	simm.s32 @!p0 $0x108  }
0x21: {  	s3 =	sadd.s32 s3, s9;
	s6 =	sadd.s32 @!p0 $0x88, s6;
	s7 =	simm.s32 @p2 $0x1082  }
0x22: {  	[simem:s7], [sflag:s8] =	dma.local @!p0 [hbm:s6], $0xF7A  }
0x23: {  	s9 =	sor.u32 $0xD0000000, s2;
	s6 =	simm.s32 $0x108;
	_ =	swait.ge @!p0 [sflag:s8], $0x0  }
0x24: {  	s3 =	sadd.s32 $0x88, s3;
	s6 =	simm.s32 @!p1 $0x1082;
	[sflag:s4] =	ssyncset.s32 $0xFFFFF086  }
0x25: {  	[simem:s6], [sflag:s4] =	dma.local [hbm:s3], $0xF7A  }
0x26: {  	[smem:$0x3F96] =	sst s1;
	(tag) =	ssettag s2;
	_ =	strace s9  }
0x27: {  	s1 =	sld [smem:$0x3FA6]  }
0x28: {  	s2 =	sld [smem:$0x3FA7]  }
0x29: {  	s4 =	sld [smem:$0x3FA9]  }
0x2a: {  	p0 =	seq.s32 s5, $0x0;
	s5 =	sld [smem:$0x3FAA]  }
0x2b: {  	s6 =	sld [smem:$0x3FAB]  }
0x2c: {  	s7 =	sld [smem:$0x3FAC]  }
0x2d: {  	s3 =	simm.s32 $0x108;
	s8 =	sld [smem:$0x3FAD]  }
0x2e: {  	s3 =	simm.s32 @!p0 $0x1082;
	s9 =	sld [smem:$0x3FAE]  }
0x2f: {  	lr =	sadd.s32 s0, s3;
	s0 =	sld [smem:$0x3FA5]  }
0x30: {  	s3 =	sld [smem:$0x3FA8]  }
0x31: {  	[smem:$0x3FB1] =	sst s10  }
0x32: {  	s10 =	sld [smem:$0x3FAF];
	_ =	sdelay $0x3  }
0x33: {  	p0 =	seq.s32 s10, $0x1;
	s10 =	sld [smem:$0x3FB1];
	_ =	sdelay $0x3  }
0x34: {  	[smem:$0x3FB1] =	sst s10  }
0x35: {  	s10 =	sld [smem:$0x3FB0];
	_ =	sdelay $0x3  }
0x36: {  	p1 =	seq.s32 s10, $0x1;
	s10 =	sld [smem:$0x3FB1];
	_ =	sdelay $0x3  }
0x37: {  	[smem:$0x3FB1] =	sst s10  }
0x38: {  	s10 =	sld [smem:$0x3FB2]  }
0x39: {  	_ = 	snop;
	(pc) =	sbr.ind lr, $3  }
0x3a: {  	_ = 	snop  }
0x3b: {  	_ = 	snop  }
0x3c: {  	p2 =	seq.s32 s10, $0x1;
	s10 =	sld [smem:$0x3FB1]  }
0x3d: {  	_ =	shalt  }
0x3e: {  	_ =	shalt  }
0x3f: {  	_ =	shalt  }
0x40: {  	_ =	shalt  }
0x41: {  	_ =	shalt  }
0x42: {  	_ =	shalt  }
0x43: {  	_ =	shalt  }
0x44: {  	_ =	shalt  }
0x45: {  	_ =	shalt  }
0x46: {  	_ =	shalt  }
0x47: {  	_ =	shalt  }
0x48: {  	_ =	shalt  }
0x49: {  	_ =	shalt  }
0x4a: {  	_ =	shalt  }
0x4b: {  	_ =	shalt  }
0x4c: {  	_ =	shalt  }
0x4d: {  	_ =	shalt  }
0x4e: {  	_ =	shalt  }
0x4f: {  	_ =	shalt  }
0x50: {  	_ =	shalt  }
0x51: {  	_ =	shalt  }
0x52: {  	_ =	shalt  }
0x53: {  	_ =	shalt  }
0x54: {  	_ =	shalt  }
0x55: {  	_ =	shalt  }
0x56: {  	_ =	shalt  }
0x57: {  	_ =	shalt  }
0x58: {  	_ =	shalt  }
0x59: {  	_ =	shalt  }
0x5a: {  	_ =	shalt  }
0x5b: {  	_ =	shalt  }
0x5c: {  	_ =	shalt  }
0x5d: {  	_ =	shalt  }
0x5e: {  	_ =	shalt  }
0x5f: {  	_ =	shalt  }
0x60: {  	_ =	shalt  }
0x61: {  	_ =	shalt  }
0x62: {  	_ =	shalt  }
0x63: {  	_ =	shalt  }
0x64: {  	_ =	shalt  }
0x65: {  	_ =	shalt  }
0x66: {  	_ =	shalt  }
0x67: {  	_ =	shalt  }
0x68: {  	_ =	shalt  }
0x69: {  	_ =	shalt  }
0x6a: {  	_ =	shalt  }
0x6b: {  	_ =	shalt  }
0x6c: {  	_ =	shalt  }
0x6d: {  	_ =	shalt  }
0x6e: {  	_ =	shalt  }
0x6f: {  	_ =	shalt  }
0x70: {  	_ =	shalt  }
0x71: {  	_ =	shalt  }
0x72: {  	_ =	shalt  }
0x73: {  	_ =	shalt  }
0x74: {  	_ =	shalt  }
0x75: {  	_ =	shalt  }
0x76: {  	_ =	shalt  }
0x77: {  	_ =	shalt  }
0x78: {  	_ =	shalt  }
0x79: {  	_ =	shalt  }
0x7a: {  	_ =	shalt  }
0x7b: {  	_ =	shalt  }
0x7c: {  	_ =	shalt  }
0x7d: {  	_ =	shalt  }
0x7e: {  	_ =	shalt  }
0x7f: {  	_ =	shalt  }
0x80: {  	_ =	shalt  }
0x81: {  	_ =	shalt  }
0x82: {  	_ =	shalt  }
0x83: {  	_ =	shalt  }
0x84: {  	_ =	shalt  }
0x85: {  	_ =	shalt  }
0x86: {  	_ =	shalt  }
0x87: {  	_ =	shalt  }
.Lfunc_end0:
.L_simem_size_0:
called_computation_lowered:
.L_overlay_start_0:
0x88: {  	s2 =	sld [smem:$0x3FD9]  }
0x89: {  	s3 =	sld [smem:$0x3FFE];
	_ =	sdelay $0x1  }
0x8a: {  	s1 =	srdreg.scid  }
0x8b: {  	s0 =	sand.u32 $0x1, s1  }
0x8c: {  	s17 =	sshll.u32 s0, $0xA;
	s2 =	sadd.s32 s3, s2  }
0x8d: {  	s2 =	sadd.s32 s2, s17  }
0x8e: {  	[smem:$0x3FBD] =	sst s2  }
0x8f: {  	_ = 	snop  }
0x90: {  	s2 =	sld [smem:$0x3FC9];
	(tm) =	ssettm $0x1  }
0x91: {  	s18 =	sld [smem:$0x3FFB];
	_ =	sdelay $0x3  }
0x92: {  	_ =	strace s18  }
0x93: {  	s3 =	sld [smem:$0x3FFC];
	_ =	sdelay $0x3  }
0x94: {  	_ =	strace s3  }
0x95: {  	s3 =	sld [smem:$0x3FFD];
	_ =	sdelay $0x3  }
0x96: {  	_ =	strace s3  }
0x97: {  	_ =	strace $0x8FFFFFFF  }
0x98: {  	s19 =	sld [smem:$0x3FDB];
	_ =	sdelay $0x1  }
0x99: {  	s4 =	simm.s32 $_scs_section_size  }
0x9a: {  	s5 =	simm.s32 $_size__tile_overlayer_lowered;
	s6 =	simm.s32 $_tile_overlayer_lowered  }
0x9b: {  	s22 =	simm.s32 $0x1BFF;
	s21 =	sshll.u32 s6, $0x1;
	s3 =	sadd.s32 s4, s19  }
0x9c: {  	s7 =	simm.s32 $0x0;
	s20 =	sshll.u32 s5, $0x1;
	s5 =	sadd.s32 s21, s3  }
0x9d: {  	[timem:s7], [sflag:s22] =	dma.local [hbm:s5], s20  }
0x9e: {  	_ =	swait.ge [sflag:s22], s20  }
0x9f: {  	s4 =	ssub.s32 $0x0, s20;
	[sflag:s22] =	ssyncset.done $0x0  }
0xa0: {  	[sflag:s22] =	ssyncadd.s32 s4;
	_ =	sdelay $0x1  }
0xa1: {  	s23 =	simm.s32 $0x1B8B  }
0xa2: {  	_ =	swait.ge [sflag:s23], $0x1  }
0xa3: {  	[sflag:s23] =	ssyncset.done $0x0  }
0xa4: {  	s25 =	simm.s32 $0x1B8E;
	s24 =	sld [smem:$0x3FFE];
	[sflag:s23] =	ssyncadd.s32 $0xFFFFFFFF  }
0xa5: {  	s26 =	simm.s32 $execute0_lowered;
	[smem:$0x3FD2] =	sst s25  }
0xa6: {  	s5 =	sshll.u32 s26, $0x1;
	_ =	strace $0x80000046;
	[dreg:$0x1] =	wrdreg $0xFFFFFFFF  }
0xa7: {  	s28 =	simm.s32 $_size_execute0_lowered;
	s3 =	sadd.s32 s3, s5;
	[dreg:$0x0] =	wrdreg $0x0  }
0xa8: {  	s5 =	sshll.u32 s28, $0x1;
	[dreg:$0x2] =	wrdreg s3  }
0xa9: {  	[dreg:$0x3] =	wrdreg s5  }
0xaa: {  	[dreg:$0x4] =	wrdreg $0xC0  }
0xab: {  	_ =	task [dreg:s7], $0x5FFFF  }
0xac: {  	[dreg:$0x1] =	wrdreg $0xFFFFFFFF  }
0xad: {  	[dreg:$0x0] =	wrdreg $0x60  }
0xae: {  	[dreg:$0x2] =	wrdreg s2  }
0xaf: {  	[dreg:$0x3] =	wrdreg s24  }
0xb0: {  	[dreg:$0x4] =	wrdreg $0x0  }
0xb1: {  	[dreg:$0x5] =	wrdreg $0x9  }
0xb2: {  	_ =	task.clear_ibuf [dreg:s7], $0x6FFFF;
	_ =	strace $0x90000046  }
0xb3: {  	s29 =	simm.s32 $0x9;
	_ =	strace $0x80000048  }
0xb4: {  	_ =	swait.ge [sflag:s29], $0x1  }
0xb5: {  	[sflag:s29] =	ssyncadd.s32 $0xFFFFFFFF  }
0xb6: {  	_ =	strace $0x90000048  }
0xb7: {  	_ =	sfence  }
0xb8: {  	s30 =	sld [smem:$0x0];
	_ =	sdelay $0x2  }
0xb9: {  	s31 =	sshll.u32 s1, $0xD;
	s1 =	sshrl.u32 s1, $0x2  }
0xba: {  	s3 =	sand.u32 $0x4000, s31;
	s1 =	sadd.s32 s1, s30  }
0xbb: {  	s0 =	sor.u32 s3, s0;
	s1 =	sshll.u32 s1, $0x11  }
0xbc: {  	s0 =	sor.u32 s1, s0  }
0xbd: {  	s0 =	sadd.s32 $0x8F2B, s0  }
0xbe: {  	[sflag:s0] =	ssyncadd.remote.s32 $0x1  }
0xbf: {  	_ =	sfence.sel $0xFFFF  }
0xc0: {  	[dreg:$0x0] =	wrdreg $0xFFFFFFFF;
	(pc) =	sbr.abs _section_cstart, $3  }
0xc1: {  	[dreg:$0x1] =	wrdreg $0xFFFFFFFF  }
0xc2: {  	_ =	task.clear_ibuf [dreg:s7], $0x2FFFF;
	_ =	strace $0x9FFFFFFF  }
0xc3: {  	(tm) =	ssettm $0x7FFFFFFF  }
tec
execute0_lowered:
.L_overlay_start_1:
0x0: {  	(tag) =	ssettag $0x1  }
0x1: {  	s0 =	rddreg [dreg:$0x0]  }
0x2: {  	s1 =	srdreg.scid;
	s6 =	rddreg [dreg:$0x1]  }
0x3: {  	s3 =	rddreg [dreg:$0x2];
	s2 =	stileid.u32  }
0x4: {  	s4 =	simm.s32 $0x0;
	s24 =	simm.s32 $0x1A0;
	s25 =	simm.s32 $0x220  }
0x5: {  	s26 =	simm.s32 $0xAA0;
	s13 =	simm.s32 $0x4AA0;
	[smem:$0x7FF] =	sst s4  }
0x6: {  	s14 =	simm.s32 $0x52A0;
	_ =	strace $0x80000047;
	[dreg:$0xe] =	wrdreg s24  }
0x7: {  	s28 =	simm.s32 $0x122A0;
	s29 =	simm.s32 $0x12AA0;
	[dreg:$0xf] =	wrdreg s25  }
0x8: {  	s30 =	simm.s32 $0x132A0;
	s1 =	sand.u32 $0x1, s1;
	[dreg:$0x10] =	wrdreg s26  }
0x9: {  	s7 =	sadd.s32 $0x1A00, s6;
	s20 =	smul.u32 $0x280, s2;
	[dreg:$0x18] =	wrdreg s13  }
0xa: {  	s5 =	sshll.u32 s1, $0x4;
	[dreg:$0x19] =	wrdreg s14;
	s24 =	simm.s32 $0x9AA0  }
0xb: {  	s25 =	simm.s32 $0xA2A0;
	s26 =	simm.s32 $0xAAA0;
	[smem:$0x7FB] =	sst s24  }
0xc: {  	s5 =	sor.u32 s2, s5;
	s23 =	sshrl.u32 s20, $0x2;
	[smem:$0x7FC] =	sst s25  }
0xd: {  	s2 =	simm.s32 $0x12A0;
	s20 =	simm.s32 $0x7AA0;
	[smem:$0x7FD] =	sst s26  }
0xe: {  	s8 =	sshll.u32 s5, $0x6;
	s12 =	smul.u32 $0x2800, s5;
	[dreg:$0x11] =	wrdreg s2  }
0xf: {  	s5 =	sadd.s32 s23, s3;
	[dreg:$0x1e] =	wrdreg s20;
	s23 =	simm.s32 $0x92A0  }
0x10: {  	s9 =	sadd.s32 $0x2200, s6;
	s10 =	sadd.s32 s7, s8;
	[smem:$0x7FA] =	sst s23  }
0x11: {  	s15 =	sadd.s32 s9, s8;
	s11 =	sor.u32 $0x10, s8;
	[dreg:$0x4] =	wrdreg s10  }
0x12: {  	s31 =	simm.s32 $0x13AA0;
	[dreg:$0x5] =	wrdreg s15;
	s16 =	sadd.s32 s7, s11  }
0x13: {  	s18 =	sor.u32 $0x20, s8;
	s17 =	sadd.s32 s9, s11;
	[dreg:$0x6] =	wrdreg s16  }
0x14: {  	s1 =	ssub.s32 $0x2, s1;
	s19 =	sadd.s32 s7, s18;
	[dreg:$0x7] =	wrdreg s17  }
0x15: {  	s8 =	sor.u32 $0x30, s8;
	s21 =	sadd.s32 s9, s18;
	[dreg:$0x8] =	wrdreg s19  }
0x16: {  	s14 =	simm.s32 $0xBAA0;
	s22 =	sadd.s32 s7, s8;
	[dreg:$0x9] =	wrdreg s21  }
0x17: {  	s24 =	simm.s32 $0x10AA0;
	s8 =	sadd.s32 s9, s8;
	[dreg:$0xa] =	wrdreg s22  }
0x18: {  	s25 =	simm.s32 $0x112A0;
	s7 =	sadd.s32 $0x50, s5;
	[dreg:$0xb] =	wrdreg s8  }
0x19: {  	s26 =	simm.s32 $0x11AA0;
	s9 =	simm.s32 $0x2AA0;
	[dreg:$0xc] =	wrdreg s7  }
0x1a: {  	s20 =	simm.s32 $0xEAA0;
	s10 =	simm.s32 $0x32A0;
	[dreg:$0x14] =	wrdreg s9  }
0x1b: {  	s23 =	simm.s32 $0x102A0;
	s11 =	simm.s32 $0x3AA0;
	[dreg:$0x15] =	wrdreg s10  }
0x1c: {  	s6 =	sadd.s32 s12, s6;
	s12 =	simm.s32 $0x42A0;
	[dreg:$0x16] =	wrdreg s11  }
0x1d: {  	s15 =	simm.s32 $0x5AA0;
	s18 =	sshrl.u32 s1, $0x1;
	[dreg:$0x17] =	wrdreg s12  }
0x1e: {  	s6 =	sadd.s32 $0x2A00, s6;
	s7 =	simm.s32 $0x1AA0;
	[dreg:$0x1a] =	wrdreg s15  }
0x1f: {  	s8 =	simm.s32 $0x22A0;
	s16 =	simm.s32 $0x62A0;
	[dreg:$0xd] =	wrdreg s6  }
0x20: {  	s17 =	simm.s32 $0x6AA0;
	s19 =	simm.s32 $0x72A0;
	[dreg:$0x12] =	wrdreg s7  }
0x21: {  	s1 =	ssub.s32 s1, s18;
	s21 =	simm.s32 $0x82A0;
	[dreg:$0x13] =	wrdreg s8  }
0x22: {  	s22 =	simm.s32 $0x8AA0;
	s9 =	simm.s32 $0x2;
	[dreg:$0x1b] =	wrdreg s16  }
0x23: {  	s10 =	simm.s32 $0x120;
	s11 =	simm.s32 $0x80;
	[dreg:$0x1c] =	wrdreg s17  }
0x24: {  	s12 =	simm.s32 $0x2A0;
	s15 =	simm.s32 $0xC2A0;
	[dreg:$0x1d] =	wrdreg s19  }
0x25: {  	s18 =	simm.s32 $0xDAA0;
	s6 =	sadd.s32 $0x100, s0;
	[dreg:$0x1f] =	wrdreg s21  }
0x26: {  	v2 =	vlaneseq.u32;
	s7 =	smax.u32 s1, $0x1;
	s8 =	simm.s32 $0xA0;
	[smem:$0x7F9] =	sst s22  }
0x27: {  	vm0 =	vmmov $0xffff;
	v1 =	vshrl.u32 v2, $0x3;
	s16 =	simm.s32 $0xCAA0;
	s17 =	simm.s32 $0xD2A0;
	s19 =	simm.s32 $0xE2A0  }
0x28: {  	v0 =	vand.u32 $0x7, v2;
	v2 =	vor.u32 $0x8, v2;
	v1 =	vmul.u32 $0x8, v1;
	s21 =	simm.s32 $0xF2A0;
	s22 =	simm.s32 $0xFAA0;
	s1 =	simm.s32 $0x1  }
.LBB2_1:
0x29: {  	s2 =	rddreg [dreg:$0x4]  }
0x2a: {  	[tilespmem:s8], [sflag:$0x2] =	stream.linear.gather [hbm4b:s2+s4], $0x80, $0x38;
	[tilespmem:$0x142A0] =	vst v63  }
0x2b: {  	_ =	swait.ge [sflag:s9], $0x80  }
0x2c: {  	[sflag:s9] =	ssyncset.done $0x0  }
0x2d: {  	s13 =	rddreg [dreg:$0x5];
	[sflag:s9] =	ssyncadd.s32 $0xFFFFFF80  }
0x2e: {  	[tilespmem:s10], [sflag:$0x2] =	stream.linear.gather [hbm4b:s13+s4], $0x80, $0x38;
	[tilespmem:$0x142A0] =	vst v63  }
0x2f: {  	_ =	swait.ge [sflag:s9], $0x80  }
0x30: {  	[sflag:s9] =	ssyncset.done $0x0  }
0x31: {  	[sflag:s9] =	ssyncadd.s32 $0xFFFFFF80  }
0x32: {  	[spmem:s3] =	stream.indirect.scatter [tilespmem:s10], [sflag:$0x2], $0x1, s8, s11, $0xb8;
	[tilespmem:$0x142A0] =	vst v63  }
0x33: {  	_ =	swait.ge [sflag:s9], $0x80  }
0x34: {  	[sflag:s9] =	ssyncset.done $0x0  }
0x35: {  	s13 =	rddreg [dreg:$0x6];
	[sflag:s9] =	ssyncadd.s32 $0xFFFFFF80  }
0x36: {  	[tilespmem:s8], [sflag:$0x2] =	stream.linear.gather [hbm4b:s13+s4], $0x80, $0x38;
	[tilespmem:$0x142A0] =	vst v63  }
0x37: {  	_ =	swait.ge [sflag:s9], $0x80  }
0x38: {  	[sflag:s9] =	ssyncset.done $0x0  }
0x39: {  	s13 =	rddreg [dreg:$0x7];
	[sflag:s9] =	ssyncadd.s32 $0xFFFFFF80  }
0x3a: {  	[tilespmem:s10], [sflag:$0x2] =	stream.linear.gather [hbm4b:s13+s4], $0x80, $0x38;
	[tilespmem:$0x142A0] =	vst v63  }
0x3b: {  	_ =	swait.ge [sflag:s9], $0x80  }
0x3c: {  	[sflag:s9] =	ssyncset.done $0x0  }
0x3d: {  	[sflag:s9] =	ssyncadd.s32 $0xFFFFFF80  }
0x3e: {  	[spmem:s3] =	stream.indirect.scatter [tilespmem:s10], [sflag:$0x2], $0x1, s8, s11, $0xb8;
	[tilespmem:$0x142A0] =	vst v63  }
0x3f: {  	_ =	swait.ge [sflag:s9], $0x80  }
0x40: {  	[sflag:s9] =	ssyncset.done $0x0  }
0x41: {  	s13 =	rddreg [dreg:$0x8];
	[sflag:s9] =	ssyncadd.s32 $0xFFFFFF80  }
0x42: {  	[tilespmem:s8], [sflag:$0x2] =	stream.linear.gather [hbm4b:s13+s4], $0x80, $0x38;
	[tilespmem:$0x142A0] =	vst v63  }
0x43: {  	_ =	swait.ge [sflag:s9], $0x80  }
0x44: {  	[sflag:s9] =	ssyncset.done $0x0  }
0x45: {  	s13 =	rddreg [dreg:$0x9];
	[sflag:s9] =	ssyncadd.s32 $0xFFFFFF80  }
0x46: {  	[tilespmem:s10], [sflag:$0x2] =	stream.linear.gather [hbm4b:s13+s4], $0x80, $0x38;
	[tilespmem:$0x142A0] =	vst v63  }
0x47: {  	_ =	swait.ge [sflag:s9], $0x80  }
0x48: {  	[sflag:s9] =	ssyncset.done $0x0  }
0x49: {  	[sflag:s9] =	ssyncadd.s32 $0xFFFFFF80  }
0x4a: {  	[spmem:s3] =	stream.indirect.scatter [tilespmem:s10], [sflag:$0x2], $0x1, s8, s11, $0xb8;
	[tilespmem:$0x142A0] =	vst v63  }
0x4b: {  	_ =	swait.ge [sflag:s9], $0x80  }
0x4c: {  	[sflag:s9] =	ssyncset.done $0x0  }
0x4d: {  	s13 =	rddreg [dreg:$0xa];
	[sflag:s9] =	ssyncadd.s32 $0xFFFFFF80  }
0x4e: {  	[tilespmem:s8], [sflag:$0x2] =	stream.linear.gather [hbm4b:s13+s4], $0x80, $0x38;
	[tilespmem:$0x142A0] =	vst v63  }
0x4f: {  	_ =	swait.ge [sflag:s9], $0x80  }
0x50: {  	[sflag:s9] =	ssyncset.done $0x0  }
0x51: {  	s13 =	rddreg [dreg:$0xb];
	[sflag:s9] =	ssyncadd.s32 $0xFFFFFF80  }
0x52: {  	[tilespmem:s10], [sflag:$0x2] =	stream.linear.gather [hbm4b:s13+s4], $0x80, $0x38;
	[tilespmem:$0x142A0] =	vst v63  }
0x53: {  	_ =	swait.ge [sflag:s9], $0x80  }
0x54: {  	[sflag:s9] =	ssyncset.done $0x0  }
0x55: {  	[sflag:s9] =	ssyncadd.s32 $0xFFFFFF80  }
0x56: {  	[spmem:s3] =	stream.indirect.scatter [tilespmem:s10], [sflag:$0x2], $0x1, s8, s11, $0xb8;
	[tilespmem:$0x142A0] =	vst v63  }
0x57: {  	_ =	swait.ge [sflag:s9], $0x80  }
0x58: {  	[sflag:s9] =	ssyncset.done $0x0  }
0x59: {  	[sflag:s9] =	ssyncadd.s32 $0xFFFFFF80  }
0x5a: {  	[bflag:$0x0] =	sbarrier.arrive $0xFFFF  }
0x5b: {  	s13 =	rddreg [dreg:$0xe]  }
0x5c: {  	[tilespmem:s13], [sflag:$0x2] =	stream.linear.gather [spmem:s5], $0x50, $0x38;
	[tilespmem:$0x142A0] =	vst v63  }
0x5d: {  	_ =	swait.ge [sflag:s9], $0x50  }
0x5e: {  	s2 =	rddreg [dreg:$0xc];
	[sflag:s9] =	ssyncset.done $0x0  }
0x5f: {  	s13 =	rddreg [dreg:$0xf];
	[sflag:s9] =	ssyncadd.s32 $0xFFFFFFB0  }
0x60: {  	[tilespmem:s13], [sflag:$0x2] =	stream.linear.gather [spmem:s2], $0x50, $0x38;
	[tilespmem:$0x142A0] =	vst v63  }
0x61: {  	_ =	swait.ge [sflag:s9], $0x50  }
0x62: {  	[sflag:s9] =	ssyncset.done $0x0  }
0x63: {  	[sflag:s9] =	ssyncadd.s32 $0xFFFFFFB0  }
0x64: {  	v3 =	vld [tilespmem:$0x1A0];
	_ =	sdelay $0x4  }
0x65: {  	v4 =	vshll.u32 v3, $0x2  }
0x66: {  	v3 =	vand.u32 $0x7, v3;
	v4 =	vand.u32 $0xFFFFFFE0, v4  }
0x67: {  	v3 =	vor.u32 v3, v4  }
0x68: {  	v4 =	vperm.xlane v3, v0;
	_ =	sdelay $0x1  }
0x69: {  	v4 =	vadd.s32 v1, v4;
	_ =	sdelay $0x1  }
0x6a: {  	v3 =	vperm.xlane v3, v2;
	_ =	sdelay $0x1  }
0x6b: {  	v3 =	vadd.s32 v1, v3  }
0x6c: {  	[tilespmem:s12], [sflag:$0x1] =	stream.indirect_vreg.gather [hbm4b:s0+s4], $0x80, v4, vm0, $0xb8;
	[tilespmem:$0x142A0] =	vst v63  }
0x6d: {  	s2 =	rddreg [dreg:$0x10]  }
0x6e: {  	[tilespmem:s2], [sflag:$0x1] =	stream.indirect_vreg.gather [hbm4b:s6+s4], $0x80, v4, vm0, $0xb8;
	[tilespmem:$0x142A0] =	vst v63  }
0x6f: {  	s13 =	rddreg [dreg:$0x11]  }
0x70: {  	[tilespmem:s13], [sflag:$0x1] =	stream.indirect_vreg.gather [hbm4b:s0+s4], $0x80, v3, vm0, $0xb8;
	[tilespmem:$0x142A0] =	vst v63  }
0x71: {  	s2 =	rddreg [dreg:$0x12]  }
0x72: {  	[tilespmem:s2], [sflag:$0x1] =	stream.indirect_vreg.gather [hbm4b:s6+s4], $0x80, v3, vm0, $0xb8;
	[tilespmem:$0x142A0] =	vst v63  }
0x73: {  	v3 =	vld [tilespmem:$0x1B0];
	_ =	sdelay $0x4  }
0x74: {  	v55 =	vshll.u32 v3, $0x2  }
0x75: {  	v3 =	vand.u32 $0x7, v3;
	v4 =	vand.u32 $0xFFFFFFE0, v55  }
0x76: {  	v3 =	vor.u32 v3, v4  }
0x77: {  	v4 =	vperm.xlane v3, v0;
	_ =	sdelay $0x1  }
0x78: {  	v4 =	vadd.s32 v1, v4;
	_ =	sdelay $0x1  }
0x79: {  	v3 =	vperm.xlane v3, v2;
	_ =	sdelay $0x1  }
0x7a: {  	s2 =	rddreg [dreg:$0x13];
	v3 =	vadd.s32 v1, v3  }
0x7b: {  	[tilespmem:s2], [sflag:$0x1] =	stream.indirect_vreg.gather [hbm4b:s0+s4], $0x80, v4, vm0, $0xb8;
	[tilespmem:$0x142A0] =	vst v63  }
0x7c: {  	s13 =	rddreg [dreg:$0x14]  }
0x7d: {  	[tilespmem:s13], [sflag:$0x1] =	stream.indirect_vreg.gather [hbm4b:s6+s4], $0x80, v4, vm0, $0xb8;
	[tilespmem:$0x142A0] =	vst v63  }
0x7e: {  	s2 =	rddreg [dreg:$0x15]  }
0x7f: {  	[tilespmem:s2], [sflag:$0x1] =	stream.indirect_vreg.gather [hbm4b:s0+s4], $0x80, v3, vm0, $0xb8;
	[tilespmem:$0x142A0] =	vst v63  }
0x80: {  	s13 =	rddreg [dreg:$0x16]  }
0x81: {  	[tilespmem:s13], [sflag:$0x1] =	stream.indirect_vreg.gather [hbm4b:s6+s4], $0x80, v3, vm0, $0xb8;
	[tilespmem:$0x142A0] =	vst v63  }
0x82: {  	v3 =	vld [tilespmem:$0x1C0];
	_ =	sdelay $0x4  }
0x83: {  	v56 =	vshll.u32 v3, $0x2  }
0x84: {  	v3 =	vand.u32 $0x7, v3;
	v4 =	vand.u32 $0xFFFFFFE0, v56  }
0x85: {  	v3 =	vor.u32 v3, v4  }
0x86: {  	v4 =	vperm.xlane v3, v0;
	_ =	sdelay $0x1  }
0x87: {  	v4 =	vadd.s32 v1, v4;
	_ =	sdelay $0x1  }
0x88: {  	v3 =	vperm.xlane v3, v2;
	_ =	sdelay $0x1  }
0x89: {  	s2 =	rddreg [dreg:$0x17];
	v3 =	vadd.s32 v1, v3  }
0x8a: {  	[tilespmem:s2], [sflag:$0x1] =	stream.indirect_vreg.gather [hbm4b:s0+s4], $0x80, v4, vm0, $0xb8;
	[tilespmem:$0x142A0] =	vst v63  }
0x8b: {  	s13 =	rddreg [dreg:$0x18]  }
0x8c: {  	[tilespmem:s13], [sflag:$0x1] =	stream.indirect_vreg.gather [hbm4b:s6+s4], $0x80, v4, vm0, $0xb8;
	[tilespmem:$0x142A0] =	vst v63  }
0x8d: {  	s2 =	rddreg [dreg:$0x19]  }
0x8e: {  	[tilespmem:s2], [sflag:$0x1] =	stream.indirect_vreg.gather [hbm4b:s0+s4], $0x80, v3, vm0, $0xb8;
	[tilespmem:$0x142A0] =	vst v63  }
0x8f: {  	s13 =	rddreg [dreg:$0x1a]  }
0x90: {  	[tilespmem:s13], [sflag:$0x1] =	stream.indirect_vreg.gather [hbm4b:s6+s4], $0x80, v3, vm0, $0xb8;
	[tilespmem:$0x142A0] =	vst v63  }
0x91: {  	v3 =	vld [tilespmem:$0x1D0];
	_ =	sdelay $0x4  }
0x92: {  	v57 =	vshll.u32 v3, $0x2  }
0x93: {  	v3 =	vand.u32 $0x7, v3;
	v4 =	vand.u32 $0xFFFFFFE0, v57  }
0x94: {  	v3 =	vor.u32 v3, v4  }
0x95: {  	v4 =	vperm.xlane v3, v0;
	_ =	sdelay $0x1  }
0x96: {  	v4 =	vadd.s32 v1, v4;
	_ =	sdelay $0x1  }
0x97: {  	v3 =	vperm.xlane v3, v2;
	_ =	sdelay $0x1  }
0x98: {  	s2 =	rddreg [dreg:$0x1b];
	v3 =	vadd.s32 v1, v3  }
0x99: {  	[tilespmem:s2], [sflag:$0x1] =	stream.indirect_vreg.gather [hbm4b:s0+s4], $0x80, v4, vm0, $0xb8;
	[tilespmem:$0x142A0] =	vst v63  }
0x9a: {  	s13 =	rddreg [dreg:$0x1c]  }
0x9b: {  	[tilespmem:s13], [sflag:$0x1] =	stream.indirect_vreg.gather [hbm4b:s6+s4], $0x80, v4, vm0, $0xb8;
	[tilespmem:$0x142A0] =	vst v63  }
0x9c: {  	s2 =	rddreg [dreg:$0x1d]  }
0x9d: {  	[tilespmem:s2], [sflag:$0x1] =	stream.indirect_vreg.gather [hbm4b:s0+s4], $0x80, v3, vm0, $0xb8;
	[tilespmem:$0x142A0] =	vst v63  }
0x9e: {  	s13 =	rddreg [dreg:$0x1e]  }
0x9f: {  	[tilespmem:s13], [sflag:$0x1] =	stream.indirect_vreg.gather [hbm4b:s6+s4], $0x80, v3, vm0, $0xb8;
	[tilespmem:$0x142A0] =	vst v63  }
0xa0: {  	v3 =	vld [tilespmem:$0x1E0];
	_ =	sdelay $0x4  }
0xa1: {  	v58 =	vshll.u32 v3, $0x2  }
0xa2: {  	v3 =	vand.u32 $0x7, v3;
	v4 =	vand.u32 $0xFFFFFFE0, v58  }
0xa3: {  	v3 =	vor.u32 v3, v4  }
0xa4: {  	v4 =	vperm.xlane v3, v0;
	_ =	sdelay $0x1  }
0xa5: {  	v4 =	vadd.s32 v1, v4;
	_ =	sdelay $0x1  }
0xa6: {  	v3 =	vperm.xlane v3, v2  }
0xa7: {  	s2 =	rddreg [dreg:$0x1f]  }
0xa8: {  	s13 =	sld [smem:$0x7F9];
	v3 =	vadd.s32 v1, v3  }
0xa9: {  	[tilespmem:s2], [sflag:$0x1] =	stream.indirect_vreg.gather [hbm4b:s0+s4], $0x80, v4, vm0, $0xb8;
	[tilespmem:$0x142A0] =	vst v63  }
0xaa: {  	s2 =	sld [smem:$0x7FA]  }
0xab: {  	[tilespmem:s13], [sflag:$0x1] =	stream.indirect_vreg.gather [hbm4b:s6+s4], $0x80, v4, vm0, $0xb8;
	[tilespmem:$0x142A0] =	vst v63  }
0xac: {  	s13 =	sld [smem:$0x7FB]  }
0xad: {  	[tilespmem:s2], [sflag:$0x1] =	stream.indirect_vreg.gather [hbm4b:s0+s4], $0x80, v3, vm0, $0xb8;
	[tilespmem:$0x142A0] =	vst v63  }
0xae: {  	_ = 	snop  }
0xaf: {  	[tilespmem:s13], [sflag:$0x1] =	stream.indirect_vreg.gather [hbm4b:s6+s4], $0x80, v3, vm0, $0xb8;
	[tilespmem:$0x142A0] =	vst v63  }
0xb0: {  	v3 =	vld [tilespmem:$0x220];
	_ =	sdelay $0x4  }
0xb1: {  	v59 =	vshll.u32 v3, $0x2  }
0xb2: {  	v3 =	vand.u32 $0x7, v3;
	v4 =	vand.u32 $0xFFFFFFE0, v59  }
0xb3: {  	v3 =	vor.u32 v3, v4  }
0xb4: {  	v4 =	vperm.xlane v3, v0;
	_ =	sdelay $0x1  }
0xb5: {  	v4 =	vadd.s32 v1, v4;
	_ =	sdelay $0x1  }
0xb6: {  	s2 =	sld [smem:$0x7FC];
	v3 =	vperm.xlane v3, v2;
	_ =	sdelay $0x1  }
0xb7: {  	s13 =	sld [smem:$0x7FD];
	v3 =	vadd.s32 v1, v3  }
0xb8: {  	[tilespmem:s2], [sflag:$0x1] =	stream.indirect_vreg.gather [hbm4b:s0+s4], $0x80, v4, vm0, $0xb8;
	[tilespmem:$0x142A0] =	vst v63  }
0xb9: {  	_ = 	snop  }
0xba: {  	[tilespmem:s13], [sflag:$0x1] =	stream.indirect_vreg.gather [hbm4b:s6+s4], $0x80, v4, vm0, $0xb8;
	[tilespmem:$0x142A0] =	vst v63  }
0xbb: {  	s13 =	simm.s32 $0xB2A0  }
0xbc: {  	[tilespmem:s13], [sflag:$0x1] =	stream.indirect_vreg.gather [hbm4b:s0+s4], $0x80, v3, vm0, $0xb8;
	[tilespmem:$0x142A0] =	vst v63  }
0xbd: {  	_ = 	snop  }
0xbe: {  	[tilespmem:s14], [sflag:$0x1] =	stream.indirect_vreg.gather [hbm4b:s6+s4], $0x80, v3, vm0, $0xb8;
	[tilespmem:$0x142A0] =	vst v63  }
0xbf: {  	v3 =	vld [tilespmem:$0x230];
	_ =	sdelay $0x4  }
0xc0: {  	v60 =	vshll.u32 v3, $0x2  }
0xc1: {  	v3 =	vand.u32 $0x7, v3;
	v4 =	vand.u32 $0xFFFFFFE0, v60  }
0xc2: {  	v3 =	vor.u32 v3, v4  }
0xc3: {  	v4 =	vperm.xlane v3, v0;
	_ =	sdelay $0x1  }
0xc4: {  	v4 =	vadd.s32 v1, v4;
	_ =	sdelay $0x1  }
0xc5: {  	v3 =	vperm.xlane v3, v2;
	_ =	sdelay $0x1  }
0xc6: {  	v3 =	vadd.s32 v1, v3  }
0xc7: {  	[tilespmem:s15], [sflag:$0x1] =	stream.indirect_vreg.gather [hbm4b:s0+s4], $0x80, v4, vm0, $0xb8;
	[tilespmem:$0x142A0] =	vst v63  }
0xc8: {  	_ = 	snop  }
0xc9: {  	[tilespmem:s16], [sflag:$0x1] =	stream.indirect_vreg.gather [hbm4b:s6+s4], $0x80, v4, vm0, $0xb8;
	[tilespmem:$0x142A0] =	vst v63  }
0xca: {  	_ = 	snop  }
0xcb: {  	[tilespmem:s17], [sflag:$0x1] =	stream.indirect_vreg.gather [hbm4b:s0+s4], $0x80, v3, vm0, $0xb8;
	[tilespmem:$0x142A0] =	vst v63  }
0xcc: {  	_ = 	snop  }
0xcd: {  	[tilespmem:s18], [sflag:$0x1] =	stream.indirect_vreg.gather [hbm4b:s6+s4], $0x80, v3, vm0, $0xb8;
	[tilespmem:$0x142A0] =	vst v63  }
0xce: {  	v3 =	vld [tilespmem:$0x240];
	_ =	sdelay $0x4  }
0xcf: {  	v61 =	vshll.u32 v3, $0x2  }
0xd0: {  	v3 =	vand.u32 $0x7, v3;
	v4 =	vand.u32 $0xFFFFFFE0, v61  }
0xd1: {  	v3 =	vor.u32 v3, v4  }
0xd2: {  	v4 =	vperm.xlane v3, v0;
	_ =	sdelay $0x1  }
0xd3: {  	v4 =	vadd.s32 v1, v4;
	_ =	sdelay $0x1  }
0xd4: {  	v3 =	vperm.xlane v3, v2;
	_ =	sdelay $0x1  }
0xd5: {  	v3 =	vadd.s32 v1, v3  }
0xd6: {  	[tilespmem:s19], [sflag:$0x1] =	stream.indirect_vreg.gather [hbm4b:s0+s4], $0x80, v4, vm0, $0xb8;
	[tilespmem:$0x142A0] =	vst v63  }
0xd7: {  	_ = 	snop  }
0xd8: {  	[tilespmem:s20], [sflag:$0x1] =	stream.indirect_vreg.gather [hbm4b:s6+s4], $0x80, v4, vm0, $0xb8;
	[tilespmem:$0x142A0] =	vst v63  }
0xd9: {  	_ = 	snop  }
0xda: {  	[tilespmem:s21], [sflag:$0x1] =	stream.indirect_vreg.gather [hbm4b:s0+s4], $0x80, v3, vm0, $0xb8;
	[tilespmem:$0x142A0] =	vst v63  }
0xdb: {  	_ = 	snop  }
0xdc: {  	[tilespmem:s22], [sflag:$0x1] =	stream.indirect_vreg.gather [hbm4b:s6+s4], $0x80, v3, vm0, $0xb8;
	[tilespmem:$0x142A0] =	vst v63  }
0xdd: {  	v3 =	vld [tilespmem:$0x250];
	_ =	sdelay $0x4  }
0xde: {  	v62 =	vshll.u32 v3, $0x2  }
0xdf: {  	v3 =	vand.u32 $0x7, v3;
	v4 =	vand.u32 $0xFFFFFFE0, v62  }
0xe0: {  	v3 =	vor.u32 v3, v4  }
0xe1: {  	v4 =	vperm.xlane v3, v0;
	_ =	sdelay $0x1  }
0xe2: {  	v4 =	vadd.s32 v1, v4;
	_ =	sdelay $0x1  }
0xe3: {  	v3 =	vperm.xlane v3, v2;
	_ =	sdelay $0x1  }
0xe4: {  	v3 =	vadd.s32 v1, v3  }
0xe5: {  	[tilespmem:s23], [sflag:$0x1] =	stream.indirect_vreg.gather [hbm4b:s0+s4], $0x80, v4, vm0, $0xb8;
	[tilespmem:$0x142A0] =	vst v63  }
0xe6: {  	_ = 	snop  }
0xe7: {  	[tilespmem:s24], [sflag:$0x1] =	stream.indirect_vreg.gather [hbm4b:s6+s4], $0x80, v4, vm0, $0xb8;
	[tilespmem:$0x142A0] =	vst v63  }
0xe8: {  	_ = 	snop  }
0xe9: {  	[tilespmem:s25], [sflag:$0x1] =	stream.indirect_vreg.gather [hbm4b:s0+s4], $0x80, v3, vm0, $0xb8;
	[tilespmem:$0x142A0] =	vst v63  }
0xea: {  	_ = 	snop  }
0xeb: {  	[tilespmem:s26], [sflag:$0x1] =	stream.indirect_vreg.gather [hbm4b:s6+s4], $0x80, v3, vm0, $0xb8;
	[tilespmem:$0x142A0] =	vst v63  }
0xec: {  	v3 =	vld [tilespmem:$0x260];
	_ =	sdelay $0x4  }
0xed: {  	v63 =	vshll.u32 v3, $0x2  }
0xee: {  	v3 =	vand.u32 $0x7, v3;
	v4 =	vand.u32 $0xFFFFFFE0, v63  }
0xef: {  	v3 =	vor.u32 v3, v4  }
0xf0: {  	v4 =	vperm.xlane v3, v0;
	_ =	sdelay $0x1  }
0xf1: {  	v4 =	vadd.s32 v1, v4;
	_ =	sdelay $0x1  }
0xf2: {  	v3 =	vperm.xlane v3, v2;
	_ =	sdelay $0x1  }
0xf3: {  	v3 =	vadd.s32 v1, v3  }
0xf4: {  	[tilespmem:s28], [sflag:$0x1] =	stream.indirect_vreg.gather [hbm4b:s0+s4], $0x80, v4, vm0, $0xb8;
	[tilespmem:$0x142A0] =	vst v63  }
0xf5: {  	_ = 	snop  }
0xf6: {  	[tilespmem:s29], [sflag:$0x1] =	stream.indirect_vreg.gather [hbm4b:s6+s4], $0x80, v4, vm0, $0xb8;
	[tilespmem:$0x142A0] =	vst v63  }
0xf7: {  	_ = 	snop  }
0xf8: {  	[tilespmem:s30], [sflag:$0x1] =	stream.indirect_vreg.gather [hbm4b:s0+s4], $0x80, v3, vm0, $0xb8;
	[tilespmem:$0x142A0] =	vst v63  }
0xf9: {  	_ = 	snop  }
0xfa: {  	[tilespmem:s31], [sflag:$0x1] =	stream.indirect_vreg.gather [hbm4b:s6+s4], $0x80, v3, vm0, $0xb8;
	[tilespmem:$0x142A0] =	vst v63  }
0xfb: {  	_ =	swait.ge [sflag:s1], $0xA000  }
0xfc: {  	[sflag:s1] =	ssyncset.done $0x0  }
0xfd: {  	[sflag:s1] =	ssyncadd.s32 $0xFFFF6000  }
0xfe: {  	_ =	swait.ge [sflag:s1], $0xA000  }
0xff: {  	p0 =	sne.s32 s7, $0x1;
	[sflag:s1] =	ssyncset.done $0x0  }
.Ltmp0:
0x100: {  	s13 =	rddreg [dreg:$0xd];
	[sflag:s1] =	ssyncadd.s32 $0xFFFF6000;
	(pc) =	sbr.rel @p0 .LBB2_1-.Ltmp0, $4  }
0x101: {  	[hbm4b:s13+s4] =	stream.linear.scatter [tilespmem:s12], [sflag:$0x2], $0x14000, $0x38;
	[tilespmem:$0x142A0] =	vst v63  }
0x102: {  	_ =	swait.ge [sflag:s9], $0x14000  }
0x103: {  	[sflag:s9] =	ssyncset.done $0x0  }
0x104: {  	s7 =	sadd.s32 $0xFFFFFFFF, s7;
	[sflag:s9] =	ssyncadd.s32 $0xFFFEC000  }
0x105: {  	_ =	sfence.sel $0x180000  }
0x106: {  	[bflag:$0x0] =	sbarrier.arrive $0xFFFF  }
0x107: {  	_ =	strace $0x90000047  }
0x108: {  	s0 =	stileid.u32;
	[bflag:$0x2] =	sbarrier.arrive $0xFFFF  }
0x109: {  	p0 =	sne.s32 s0, $0x0;
	s0 =	rddreg [dreg:$0x3]  }
0x10a: {  	s0 =	sadd.s32 @!p0 $0x100000, s0  }
0x10b: {  	[sflag:s0] =	ssyncadd.tile.s32 @!p0 $0x1;
	_ =	shalt  }
.Lfunc_end2:
_tile_overlayer_lowered:
.L_overlay_start_2:
0x10c: {  	(tag) =	ssettag $0x2  }
0x10d: {  	s0 =	rddreg [dreg:$0x0];
	s2 =	stileid.u32  }
0x10e: {  	s1 =	rddreg [dreg:$0x1];
	p0 =	sne.s32 s2, $0x0  }
0x10f: {  	s3 =	rddreg [dreg:$0x2];
	[bflag:$0x3] =	sbarrier.arrive $0xFFFF;
	s2 =	simm.s32 @!p0 $0x1C02  }
0x110: {  	[timem:s3], [sflag:s2] =	dma.local @!p0 [hbm:s0], s1  }
0x111: {  	s0 =	simm.s32 @!p0 $0x2  }
0x112: {  	_ =	swait.ge @!p0 [sflag:s0], s1  }
0x113: {  	s1 =	ssub.s32 @!p0 $0x0, s1;
	[sflag:s0] =	ssyncset.done @!p0 $0x0  }
0x114: {  	[sflag:s0] =	ssyncadd.s32 @!p0 s1  }
0x115: {  	[bflag:$0x3] =	sbarrier.arrive $0xFFFF  }
0x116: {  	_ =	shalt  }

</sc_bundles>
